<compile_context>
chip_gen: v7x
topology: tpu7x:2x2x1
jax: 0.10.2.dev20260603
libtpu: 0.0.44.dev20260713+nightly
codegen_flags: <defaults>
</compile_context>

<pallas_src>
import jax
import jax.numpy as jnp
from jax import lax
from jax.experimental import pallas as pl
from jax.experimental.pallas import tpu as pltpu
from jax.experimental.pallas import tpu_sc as plsc

E = 16
TOP_K = 2
H = 1024
FF = 2048
FFC = 1024
NF = FF // FFC

L = 16
NC = 2
NS = 16


def _lane_max_splat(v, tmp_ref, lanes):
    for s in (1, 2, 4, 8):
        tmp_ref[...] = v
        v = jnp.maximum(v, plsc.load_gather(tmp_ref, [lanes ^ s]))
    return v


def _router_sc_body(x_hbm, gt_hbm, comb_hbm, xv, gv, cv, tv, sem1, sem2):
    t = lax.axis_index("c") * NS + lax.axis_index("s")
    cp1 = pltpu.async_copy(x_hbm.at[t], xv, sem1)
    cp2 = pltpu.async_copy(gt_hbm, gv, sem2)
    cp1.wait()
    cp2.wait()
    lanes = lax.iota(jnp.int32, L)

    def body(j, acc):
        h = j * L
        xchunk = xv[pl.ds(h, L)]
        for k in range(L):
            acc = acc + xchunk[k] * gv[pl.ds((h + k) * E, L)]
        return acc

    scores = lax.fori_loop(0, H // L, body, jnp.zeros((L,), jnp.float32))
    m1 = _lane_max_splat(scores, tv, lanes)
    oh1 = lanes == plsc.all_reduce_ffs(scores == m1)
    masked = jnp.where(oh1, -jnp.inf, scores)
    m2 = _lane_max_splat(masked, tv, lanes)
    oh2 = lanes == plsc.all_reduce_ffs(masked == m2)
    e2 = jnp.exp(m2 - m1)
    denom = 1.0 + e2
    cv[...] = jnp.where(oh1, 1.0 / denom, jnp.where(oh2, e2 / denom, 0.0))
    pltpu.sync_copy(cv, comb_hbm.at[t])


def _router_sc(x, gate_wT):
    T = x.shape[0]
    return pl.kernel(
        _router_sc_body,
        out_type=jax.ShapeDtypeStruct((T, E), jnp.float32),
        mesh=plsc.VectorSubcoreMesh(core_axis_name="c", subcore_axis_name="s"),
        compiler_params=pltpu.CompilerParams(needs_layout_passes=False),
        cost_estimate=pl.CostEstimate(
            flops=2 * 32 * E * H, transcendentals=32,
            bytes_accessed=(32 * H + H * E + 32 * E) * 4),
        scratch_types=[
            pltpu.VMEM((H,), jnp.float32),
            pltpu.VMEM((H * E,), jnp.float32),
            pltpu.VMEM((L,), jnp.float32),
            pltpu.VMEM((L,), jnp.float32),
            pltpu.SemaphoreType.DMA,
            pltpu.SemaphoreType.DMA,
        ],
    )(x, gate_wT)


def _moe_body(x_ref, wg_ref, wu_ref, w2_ref, out_ref):
    f = pl.program_id(1)

    @pl.when(f == 0)
    def _init():
        out_ref[...] = jnp.zeros_like(out_ref)

    x = x_ref[...]
    g = jax.lax.dot_general(x, wg_ref[0], (((1,), (1,)), ((), ())),
                            preferred_element_type=jnp.float32)
    u = jax.lax.dot_general(x, wu_ref[0], (((1,), (1,)), ((), ())),
                            preferred_element_type=jnp.float32)
    act = (g * jax.nn.sigmoid(g)) * u
    ye = jax.lax.dot_general(act, w2_ref[0], (((1,), (1,)), ((), ())),
                             preferred_element_type=jnp.float32)
    out_ref[0] += ye


def _combine_body(p_ref, comb_ref, out_ref):
    comb = comb_ref[...]
    acc = jnp.zeros_like(out_ref)
    for e in range(E):
        oh_e = (jax.lax.broadcasted_iota(jnp.int32, (E, 1), 0) == e
                ).astype(jnp.float32)
        c = jax.lax.dot_general(comb, oh_e, (((1,), (0,)), ((), ())),
                                preferred_element_type=jnp.float32)
        acc = acc + p_ref[e] * c
    out_ref[...] = acc


@jax.jit
def kernel(hidden_states, gate_w, ws, w2s):
    b, s, h = hidden_states.shape
    x = hidden_states.reshape(-1, h)
    T = x.shape[0]

    comb = _router_sc(x, gate_w.T.reshape(-1))

    grid = (E, NF)
    partials = pl.pallas_call(
        _moe_body,
        grid=grid,
        in_specs=[
            pl.BlockSpec((T, H), lambda e, f: (0, 0)),
            pl.BlockSpec((1, FFC, H), lambda e, f: (e, f, 0)),
            pl.BlockSpec((1, FFC, H), lambda e, f: (e, NF + f, 0)),
            pl.BlockSpec((1, H, FFC), lambda e, f: (e, 0, f)),
        ],
        out_specs=pl.BlockSpec((1, T, H), lambda e, f: (e, 0, 0)),
        out_shape=jax.ShapeDtypeStruct((E, T, H), jnp.float32),
        compiler_params=pltpu.CompilerParams(
            dimension_semantics=("arbitrary", "arbitrary"),
        ),
        cost_estimate=pl.CostEstimate(
            flops=2 * 32 * E * (2 * FF * H + H * FF), transcendentals=32 * E * FF,
            bytes_accessed=E * (3 * FF * H) * 4),
    )(x, ws, ws, w2s)

    out = pl.pallas_call(
        _combine_body,
        out_shape=jax.ShapeDtypeStruct((T, H), jnp.float32),
    )(partials, comb)
    return out.reshape(b, s, h)

# --- scband reference (transcript-rebuilt; emitter-appended) ---
"""Pipeline reference for scband-yak-mo-e-50079318672051 (READ-ONLY COPY).

The authoritative reference and input builder live on the scoring server;
editing this copy changes nothing except your own understanding.
"""

import jax, jax.numpy as jnp
import numpy as np

E = 16
TOP_K = 2
H = 1024
FF = 2048
B = 32
S = 1


def setup_inputs(seed: int = 0) -> dict:
    key = jax.random.key(seed)
    k1, k2, k3, k4 = jax.random.split(key, 4)
    hidden_states = jax.random.normal(k1, (B, S, H), dtype=jnp.float32)
    gate_w = jax.random.normal(k2, (E, H), dtype=jnp.float32) * 0.02
    ws = jax.random.normal(k3, (E, 2 * FF, H), dtype=jnp.float32) * 0.02
    w2s = jax.random.normal(k4, (E, H, FF), dtype=jnp.float32) * 0.02
    return {"hidden_states": hidden_states, "gate_w": gate_w, "ws": ws, "w2s": w2s}


def reference(hidden_states, gate_w, ws, w2s):
    b, s, h = hidden_states.shape
    x = hidden_states.reshape(-1, h)
    T = x.shape[0]
    # ReplicatedLinear gate (no bias)
    router_logits = x @ gate_w.T
    routing_weights = jax.nn.softmax(router_logits.astype(jnp.float32), axis=-1)
    topk_w, topk_ids = jax.lax.top_k(routing_weights, TOP_K)
    if TOP_K > 1:
        topk_w = topk_w / jnp.sum(topk_w, axis=-1, keepdims=True)
    # per-token combine weight for each expert (scatter of topk weights)
    combine = jnp.zeros((T, E), dtype=jnp.float32)
    combine = combine.at[jnp.arange(T)[:, None], topk_ids].add(topk_w)
    final = jnp.zeros((T, h), dtype=x.dtype)
    for e in range(E):
        gate_up = x @ ws[e].T  # [T, 2*FF]
        g = gate_up[:, :FF]
        u = gate_up[:, FF:]
        act = jax.nn.silu(g) * u  # SiluAndMul
        ye = act @ w2s[e].T  # [T, H]
        final = final + ye * combine[:, e][:, None]
    return final.reshape(b, s, h)

if __name__ == "__main__":
    import jax
    _d = setup_inputs()
    print(jax.jit(kernel)(*tuple(_d.values())))

</pallas_src>

<mosaic_0001>
#map = affine_map<(d0, d1) -> (0, 0)>
#map1 = affine_map<(d0, d1) -> (0)>
module attributes {stable_mosaic.version = 14 : i64} {
  func.func @_router_sc_body(%arg0: i32, %arg1: i32, %arg2: memref<32x1024xf32, #tpu.memory_space<hbm>>, %arg3: memref<16384xf32, #tpu.memory_space<hbm>>, %arg4: memref<32x16xf32, #tpu.memory_space<hbm>>, %arg5: memref<1024xf32, #tpu.memory_space<vmem>>, %arg6: memref<16384xf32, #tpu.memory_space<vmem>>, %arg7: memref<16xf32, #tpu.memory_space<vmem>>, %arg8: memref<16xf32, #tpu.memory_space<vmem>>, %arg9: memref<!tpu.dma_semaphore, #tpu.memory_space<semaphore_mem>>, %arg10: memref<!tpu.dma_semaphore, #tpu.memory_space<semaphore_mem>>) attributes {dimension_semantics = [#tpu.dimension_semantics<core_parallel>, #tpu.dimension_semantics<subcore_parallel>], iteration_bounds = array<i64: 2, 16>, scalar_prefetch = 0 : i64, scratch_operands = 6 : i64, tpu.core_type = #tpu.core_type<sc_vector_subcore>, window_params = [{transform_indices = #map}, {transform_indices = #map1}, {transform_indices = #map}]} {
    %mul3A = arith.constant 16 : i32
    %mul3A_0 = arith.muli %arg0, %mul3A : i32
    %add3A = arith.addi %mul3A_0, %arg1 : i32
    %dma_start3A = arith.constant 0 : i32
    %dma_start3A_1 = tpu.memref_slice %arg2[%add3A, %dma_start3A] : memref<32x1024xf32, #tpu.memory_space<hbm>> -> memref<1x1024xf32, #tpu.memory_space<hbm>>
    %dma_start3A_2 = tpu.memref_squeeze %dma_start3A_1 : memref<1x1024xf32, #tpu.memory_space<hbm>> -> memref<1024xf32, #tpu.memory_space<hbm>>
    %dma_start3A_3 = arith.constant 0 : i32
    %dma_start3A_4 = tpu.memref_slice %arg2[%add3A, %dma_start3A_3] : memref<32x1024xf32, #tpu.memory_space<hbm>> -> memref<1x1024xf32, #tpu.memory_space<hbm>>
    %dma_start3A_5 = tpu.memref_squeeze %dma_start3A_4 : memref<1x1024xf32, #tpu.memory_space<hbm>> -> memref<1024xf32, #tpu.memory_space<hbm>>
    tpu.enqueue_dma source(%dma_start3A_5 : memref<1024xf32, #tpu.memory_space<hbm>>) target(%arg5 : memref<1024xf32, #tpu.memory_space<vmem>>) target_semaphore(%arg9 : memref<!tpu.dma_semaphore, #tpu.memory_space<semaphore_mem>>)
    tpu.enqueue_dma source(%arg3 : memref<16384xf32, #tpu.memory_space<hbm>>) target(%arg6 : memref<16384xf32, #tpu.memory_space<vmem>>) target_semaphore(%arg10 : memref<!tpu.dma_semaphore, #tpu.memory_space<semaphore_mem>>)
    %dma_wait3A = arith.constant 0 : i32
    %dma_wait3A_6 = tpu.memref_slice %arg2[%add3A, %dma_wait3A] : memref<32x1024xf32, #tpu.memory_space<hbm>> -> memref<1x1024xf32, #tpu.memory_space<hbm>>
    %dma_wait3A_7 = tpu.memref_squeeze %dma_wait3A_6 : memref<1x1024xf32, #tpu.memory_space<hbm>> -> memref<1024xf32, #tpu.memory_space<hbm>>
    %dma_wait3A_8 = arith.constant 0 : i32
    %dma_wait3A_9 = tpu.memref_slice %arg2[%add3A, %dma_wait3A_8] : memref<32x1024xf32, #tpu.memory_space<hbm>> -> memref<1x1024xf32, #tpu.memory_space<hbm>>
    %dma_wait3A_10 = tpu.memref_squeeze %dma_wait3A_9 : memref<1x1024xf32, #tpu.memory_space<hbm>> -> memref<1024xf32, #tpu.memory_space<hbm>>
    tpu.wait_dma2 semaphore(%arg9 : memref<!tpu.dma_semaphore, #tpu.memory_space<semaphore_mem>>) src(%dma_wait3A_10 : memref<1024xf32, #tpu.memory_space<hbm>>) dst(%arg5 : memref<1024xf32, #tpu.memory_space<vmem>>)
    tpu.wait_dma2 semaphore(%arg10 : memref<!tpu.dma_semaphore, #tpu.memory_space<semaphore_mem>>) src(%arg3 : memref<16384xf32, #tpu.memory_space<hbm>>) dst(%arg6 : memref<16384xf32, #tpu.memory_space<vmem>>)
    %iota3A = tpu.iota {dimensions = array<i32: 0>} : vector<16xi32>
    %broadcast_in_dim3A = arith.constant 0.000000e+00 : f32
    %broadcast_in_dim3A_11 = vector.broadcast %broadcast_in_dim3A : f32 to vector<16xf32>
    %scan3A = arith.constant 0 : i32
    %scan3A_12 = arith.constant 64 : i32
    %scan3A_13 = arith.addi %scan3A, %scan3A_12 : i32
    %scan3A_14 = arith.constant 1 : i32
    %scan3A_15 = scf.for %scan3A_86 = %scan3A to %scan3A_13 step %scan3A_14 iter_args(%scan3A_87 = %broadcast_in_dim3A_11) -> (vector<16xf32>)  : i32 {
      %mul3A_88 = arith.constant 16 : i32
      %mul3A_89 = arith.muli %scan3A_86, %mul3A_88 : i32
      %get3A = arith.index_cast %mul3A_89 : i32 to index
      %get3A_90 = tpu.vector_load %arg5[%get3A] {strides = array<i32>} : memref<1024xf32, #tpu.memory_space<vmem>>, vector<16xf32>,
      %slice3A = vector.extract_strided_slice %get3A_90 {offsets = [0], sizes = [1], strides = [1]} : vector<16xf32> to vector<1xf32>
      %squeeze3A = vector.extract %slice3A[0] : f32 from vector<1xf32>
      %add3A_91 = arith.constant 0 : i32
      %add3A_92 = arith.addi %mul3A_89, %add3A_91 : i32
      %mul3A_93 = arith.constant 16 : i32
      %mul3A_94 = arith.muli %add3A_92, %mul3A_93 : i32
      %get3A_95 = arith.index_cast %mul3A_94 : i32 to index
      %get3A_96 = tpu.vector_load %arg6[%get3A_95] {strides = array<i32>} : memref<16384xf32, #tpu.memory_space<vmem>>, vector<16xf32>,
      %mul3A_97 = vector.broadcast %squeeze3A : f32 to vector<16xf32>
      %mul3A_98 = arith.mulf %mul3A_97, %get3A_96 : vector<16xf32>
      %add3A_99 = arith.addf %scan3A_87, %mul3A_98 : vector<16xf32>
      %slice3A_100 = vector.extract_strided_slice %get3A_90 {offsets = [1], sizes = [1], strides = [1]} : vector<16xf32> to vector<1xf32>
      %squeeze3A_101 = vector.extract %slice3A_100[0] : f32 from vector<1xf32>
      %add3A_102 = arith.constant 1 : i32
      %add3A_103 = arith.addi %mul3A_89, %add3A_102 : i32
      %mul3A_104 = arith.constant 16 : i32
      %mul3A_105 = arith.muli %add3A_103, %mul3A_104 : i32
      %get3A_106 = arith.index_cast %mul3A_105 : i32 to index
      %get3A_107 = tpu.vector_load %arg6[%get3A_106] {strides = array<i32>} : memref<16384xf32, #tpu.memory_space<vmem>>, vector<16xf32>,
      %mul3A_108 = vector.broadcast %squeeze3A_101 : f32 to vector<16xf32>
      %mul3A_109 = arith.mulf %mul3A_108, %get3A_107 : vector<16xf32>
      %add3A_110 = arith.addf %add3A_99, %mul3A_109 : vector<16xf32>
      %slice3A_111 = vector.extract_strided_slice %get3A_90 {offsets = [2], sizes = [1], strides = [1]} : vector<16xf32> to vector<1xf32>
      %squeeze3A_112 = vector.extract %slice3A_111[0] : f32 from vector<1xf32>
      %add3A_113 = arith.constant 2 : i32
      %add3A_114 = arith.addi %mul3A_89, %add3A_113 : i32
      %mul3A_115 = arith.constant 16 : i32
      %mul3A_116 = arith.muli %add3A_114, %mul3A_115 : i32
      %get3A_117 = arith.index_cast %mul3A_116 : i32 to index
      %get3A_118 = tpu.vector_load %arg6[%get3A_117] {strides = array<i32>} : memref<16384xf32, #tpu.memory_space<vmem>>, vector<16xf32>,
      %mul3A_119 = vector.broadcast %squeeze3A_112 : f32 to vector<16xf32>
      %mul3A_120 = arith.mulf %mul3A_119, %get3A_118 : vector<16xf32>
      %add3A_121 = arith.addf %add3A_110, %mul3A_120 : vector<16xf32>
      %slice3A_122 = vector.extract_strided_slice %get3A_90 {offsets = [3], sizes = [1], strides = [1]} : vector<16xf32> to vector<1xf32>
      %squeeze3A_123 = vector.extract %slice3A_122[0] : f32 from vector<1xf32>
      %add3A_124 = arith.constant 3 : i32
      %add3A_125 = arith.addi %mul3A_89, %add3A_124 : i32
      %mul3A_126 = arith.constant 16 : i32
      %mul3A_127 = arith.muli %add3A_125, %mul3A_126 : i32
      %get3A_128 = arith.index_cast %mul3A_127 : i32 to index
      %get3A_129 = tpu.vector_load %arg6[%get3A_128] {strides = array<i32>} : memref<16384xf32, #tpu.memory_space<vmem>>, vector<16xf32>,
      %mul3A_130 = vector.broadcast %squeeze3A_123 : f32 to vector<16xf32>
      %mul3A_131 = arith.mulf %mul3A_130, %get3A_129 : vector<16xf32>
      %add3A_132 = arith.addf %add3A_121, %mul3A_131 : vector<16xf32>
      %slice3A_133 = vector.extract_strided_slice %get3A_90 {offsets = [4], sizes = [1], strides = [1]} : vector<16xf32> to vector<1xf32>
      %squeeze3A_134 = vector.extract %slice3A_133[0] : f32 from vector<1xf32>
      %add3A_135 = arith.constant 4 : i32
      %add3A_136 = arith.addi %mul3A_89, %add3A_135 : i32
      %mul3A_137 = arith.constant 16 : i32
      %mul3A_138 = arith.muli %add3A_136, %mul3A_137 : i32
      %get3A_139 = arith.index_cast %mul3A_138 : i32 to index
      %get3A_140 = tpu.vector_load %arg6[%get3A_139] {strides = array<i32>} : memref<16384xf32, #tpu.memory_space<vmem>>, vector<16xf32>,
      %mul3A_141 = vector.broadcast %squeeze3A_134 : f32 to vector<16xf32>
      %mul3A_142 = arith.mulf %mul3A_141, %get3A_140 : vector<16xf32>
      %add3A_143 = arith.addf %add3A_132, %mul3A_142 : vector<16xf32>
      %slice3A_144 = vector.extract_strided_slice %get3A_90 {offsets = [5], sizes = [1], strides = [1]} : vector<16xf32> to vector<1xf32>
      %squeeze3A_145 = vector.extract %slice3A_144[0] : f32 from vector<1xf32>
      %add3A_146 = arith.constant 5 : i32
      %add3A_147 = arith.addi %mul3A_89, %add3A_146 : i32
      %mul3A_148 = arith.constant 16 : i32
      %mul3A_149 = arith.muli %add3A_147, %mul3A_148 : i32
      %get3A_150 = arith.index_cast %mul3A_149 : i32 to index
      %get3A_151 = tpu.vector_load %arg6[%get3A_150] {strides = array<i32>} : memref<16384xf32, #tpu.memory_space<vmem>>, vector<16xf32>,
      %mul3A_152 = vector.broadcast %squeeze3A_145 : f32 to vector<16xf32>
      %mul3A_153 = arith.mulf %mul3A_152, %get3A_151 : vector<16xf32>
      %add3A_154 = arith.addf %add3A_143, %mul3A_153 : vector<16xf32>
      %slice3A_155 = vector.extract_strided_slice %get3A_90 {offsets = [6], sizes = [1], strides = [1]} : vector<16xf32> to vector<1xf32>
      %squeeze3A_156 = vector.extract %slice3A_155[0] : f32 from vector<1xf32>
      %add3A_157 = arith.constant 6 : i32
      %add3A_158 = arith.addi %mul3A_89, %add3A_157 : i32
      %mul3A_159 = arith.constant 16 : i32
      %mul3A_160 = arith.muli %add3A_158, %mul3A_159 : i32
      %get3A_161 = arith.index_cast %mul3A_160 : i32 to index
      %get3A_162 = tpu.vector_load %arg6[%get3A_161] {strides = array<i32>} : memref<16384xf32, #tpu.memory_space<vmem>>, vector<16xf32>,
      %mul3A_163 = vector.broadcast %squeeze3A_156 : f32 to vector<16xf32>
      %mul3A_164 = arith.mulf %mul3A_163, %get3A_162 : vector<16xf32>
      %add3A_165 = arith.addf %add3A_154, %mul3A_164 : vector<16xf32>
      %slice3A_166 = vector.extract_strided_slice %get3A_90 {offsets = [7], sizes = [1], strides = [1]} : vector<16xf32> to vector<1xf32>
      %squeeze3A_167 = vector.extract %slice3A_166[0] : f32 from vector<1xf32>
      %add3A_168 = arith.constant 7 : i32
      %add3A_169 = arith.addi %mul3A_89, %add3A_168 : i32
      %mul3A_170 = arith.constant 16 : i32
      %mul3A_171 = arith.muli %add3A_169, %mul3A_170 : i32
      %get3A_172 = arith.index_cast %mul3A_171 : i32 to index
      %get3A_173 = tpu.vector_load %arg6[%get3A_172] {strides = array<i32>} : memref<16384xf32, #tpu.memory_space<vmem>>, vector<16xf32>,
      %mul3A_174 = vector.broadcast %squeeze3A_167 : f32 to vector<16xf32>
      %mul3A_175 = arith.mulf %mul3A_174, %get3A_173 : vector<16xf32>
      %add3A_176 = arith.addf %add3A_165, %mul3A_175 : vector<16xf32>
      %slice3A_177 = vector.extract_strided_slice %get3A_90 {offsets = [8], sizes = [1], strides = [1]} : vector<16xf32> to vector<1xf32>
      %squeeze3A_178 = vector.extract %slice3A_177[0] : f32 from vector<1xf32>
      %add3A_179 = arith.constant 8 : i32
      %add3A_180 = arith.addi %mul3A_89, %add3A_179 : i32
      %mul3A_181 = arith.constant 16 : i32
      %mul3A_182 = arith.muli %add3A_180, %mul3A_181 : i32
      %get3A_183 = arith.index_cast %mul3A_182 : i32 to index
      %get3A_184 = tpu.vector_load %arg6[%get3A_183] {strides = array<i32>} : memref<16384xf32, #tpu.memory_space<vmem>>, vector<16xf32>,
      %mul3A_185 = vector.broadcast %squeeze3A_178 : f32 to vector<16xf32>
      %mul3A_186 = arith.mulf %mul3A_185, %get3A_184 : vector<16xf32>
      %add3A_187 = arith.addf %add3A_176, %mul3A_186 : vector<16xf32>
      %slice3A_188 = vector.extract_strided_slice %get3A_90 {offsets = [9], sizes = [1], strides = [1]} : vector<16xf32> to vector<1xf32>
      %squeeze3A_189 = vector.extract %slice3A_188[0] : f32 from vector<1xf32>
      %add3A_190 = arith.constant 9 : i32
      %add3A_191 = arith.addi %mul3A_89, %add3A_190 : i32
      %mul3A_192 = arith.constant 16 : i32
      %mul3A_193 = arith.muli %add3A_191, %mul3A_192 : i32
      %get3A_194 = arith.index_cast %mul3A_193 : i32 to index
      %get3A_195 = tpu.vector_load %arg6[%get3A_194] {strides = array<i32>} : memref<16384xf32, #tpu.memory_space<vmem>>, vector<16xf32>,
      %mul3A_196 = vector.broadcast %squeeze3A_189 : f32 to vector<16xf32>
      %mul3A_197 = arith.mulf %mul3A_196, %get3A_195 : vector<16xf32>
      %add3A_198 = arith.addf %add3A_187, %mul3A_197 : vector<16xf32>
      %slice3A_199 = vector.extract_strided_slice %get3A_90 {offsets = [10], sizes = [1], strides = [1]} : vector<16xf32> to vector<1xf32>
      %squeeze3A_200 = vector.extract %slice3A_199[0] : f32 from vector<1xf32>
      %add3A_201 = arith.constant 10 : i32
      %add3A_202 = arith.addi %mul3A_89, %add3A_201 : i32
      %mul3A_203 = arith.constant 16 : i32
      %mul3A_204 = arith.muli %add3A_202, %mul3A_203 : i32
      %get3A_205 = arith.index_cast %mul3A_204 : i32 to index
      %get3A_206 = tpu.vector_load %arg6[%get3A_205] {strides = array<i32>} : memref<16384xf32, #tpu.memory_space<vmem>>, vector<16xf32>,
      %mul3A_207 = vector.broadcast %squeeze3A_200 : f32 to vector<16xf32>
      %mul3A_208 = arith.mulf %mul3A_207, %get3A_206 : vector<16xf32>
      %add3A_209 = arith.addf %add3A_198, %mul3A_208 : vector<16xf32>
      %slice3A_210 = vector.extract_strided_slice %get3A_90 {offsets = [11], sizes = [1], strides = [1]} : vector<16xf32> to vector<1xf32>
      %squeeze3A_211 = vector.extract %slice3A_210[0] : f32 from vector<1xf32>
      %add3A_212 = arith.constant 11 : i32
      %add3A_213 = arith.addi %mul3A_89, %add3A_212 : i32
      %mul3A_214 = arith.constant 16 : i32
      %mul3A_215 = arith.muli %add3A_213, %mul3A_214 : i32
      %get3A_216 = arith.index_cast %mul3A_215 : i32 to index
      %get3A_217 = tpu.vector_load %arg6[%get3A_216] {strides = array<i32>} : memref<16384xf32, #tpu.memory_space<vmem>>, vector<16xf32>,
      %mul3A_218 = vector.broadcast %squeeze3A_211 : f32 to vector<16xf32>
      %mul3A_219 = arith.mulf %mul3A_218, %get3A_217 : vector<16xf32>
      %add3A_220 = arith.addf %add3A_209, %mul3A_219 : vector<16xf32>
      %slice3A_221 = vector.extract_strided_slice %get3A_90 {offsets = [12], sizes = [1], strides = [1]} : vector<16xf32> to vector<1xf32>
      %squeeze3A_222 = vector.extract %slice3A_221[0] : f32 from vector<1xf32>
      %add3A_223 = arith.constant 12 : i32
      %add3A_224 = arith.addi %mul3A_89, %add3A_223 : i32
      %mul3A_225 = arith.constant 16 : i32
      %mul3A_226 = arith.muli %add3A_224, %mul3A_225 : i32
      %get3A_227 = arith.index_cast %mul3A_226 : i32 to index
      %get3A_228 = tpu.vector_load %arg6[%get3A_227] {strides = array<i32>} : memref<16384xf32, #tpu.memory_space<vmem>>, vector<16xf32>,
      %mul3A_229 = vector.broadcast %squeeze3A_222 : f32 to vector<16xf32>
      %mul3A_230 = arith.mulf %mul3A_229, %get3A_228 : vector<16xf32>
      %add3A_231 = arith.addf %add3A_220, %mul3A_230 : vector<16xf32>
      %slice3A_232 = vector.extract_strided_slice %get3A_90 {offsets = [13], sizes = [1], strides = [1]} : vector<16xf32> to vector<1xf32>
      %squeeze3A_233 = vector.extract %slice3A_232[0] : f32 from vector<1xf32>
      %add3A_234 = arith.constant 13 : i32
      %add3A_235 = arith.addi %mul3A_89, %add3A_234 : i32
      %mul3A_236 = arith.constant 16 : i32
      %mul3A_237 = arith.muli %add3A_235, %mul3A_236 : i32
      %get3A_238 = arith.index_cast %mul3A_237 : i32 to index
      %get3A_239 = tpu.vector_load %arg6[%get3A_238] {strides = array<i32>} : memref<16384xf32, #tpu.memory_space<vmem>>, vector<16xf32>,
      %mul3A_240 = vector.broadcast %squeeze3A_233 : f32 to vector<16xf32>
      %mul3A_241 = arith.mulf %mul3A_240, %get3A_239 : vector<16xf32>
      %add3A_242 = arith.addf %add3A_231, %mul3A_241 : vector<16xf32>
      %slice3A_243 = vector.extract_strided_slice %get3A_90 {offsets = [14], sizes = [1], strides = [1]} : vector<16xf32> to vector<1xf32>
      %squeeze3A_244 = vector.extract %slice3A_243[0] : f32 from vector<1xf32>
      %add3A_245 = arith.constant 14 : i32
      %add3A_246 = arith.addi %mul3A_89, %add3A_245 : i32
      %mul3A_247 = arith.constant 16 : i32
      %mul3A_248 = arith.muli %add3A_246, %mul3A_247 : i32
      %get3A_249 = arith.index_cast %mul3A_248 : i32 to index
      %get3A_250 = tpu.vector_load %arg6[%get3A_249] {strides = array<i32>} : memref<16384xf32, #tpu.memory_space<vmem>>, vector<16xf32>,
      %mul3A_251 = vector.broadcast %squeeze3A_244 : f32 to vector<16xf32>
      %mul3A_252 = arith.mulf %mul3A_251, %get3A_250 : vector<16xf32>
      %add3A_253 = arith.addf %add3A_242, %mul3A_252 : vector<16xf32>
      %slice3A_254 = vector.extract_strided_slice %get3A_90 {offsets = [15], sizes = [1], strides = [1]} : vector<16xf32> to vector<1xf32>
      %squeeze3A_255 = vector.extract %slice3A_254[0] : f32 from vector<1xf32>
      %add3A_256 = arith.constant 15 : i32
      %add3A_257 = arith.addi %mul3A_89, %add3A_256 : i32
      %mul3A_258 = arith.constant 16 : i32
      %mul3A_259 = arith.muli %add3A_257, %mul3A_258 : i32
      %get3A_260 = arith.index_cast %mul3A_259 : i32 to index
      %get3A_261 = tpu.vector_load %arg6[%get3A_260] {strides = array<i32>} : memref<16384xf32, #tpu.memory_space<vmem>>, vector<16xf32>,
      %mul3A_262 = vector.broadcast %squeeze3A_255 : f32 to vector<16xf32>
      %mul3A_263 = arith.mulf %mul3A_262, %get3A_261 : vector<16xf32>
      %add3A_264 = arith.addf %add3A_253, %mul3A_263 : vector<16xf32>
      scf.yield %add3A_264 : vector<16xf32>
    }
    %scan3A_16 = arith.constant 64 : i32
    %swap3A = arith.constant 0 : index
    %swap3A_17 = tpu.vector_load %arg8[%swap3A] {strides = array<i32>} : memref<16xf32, #tpu.memory_space<vmem>>, vector<16xf32>,
    tpu.vector_store %arg8[%swap3A], %scan3A_15 {strides = array<i32>} : memref<16xf32, #tpu.memory_space<vmem>>, vector<16xf32>,
    %xor3A = arith.constant 1 : i32
    %xor3A_18 = vector.broadcast %xor3A : i32 to vector<16xi32>
    %xor3A_19 = arith.xori %iota3A, %xor3A_18 : vector<16xi32>
    %gather3A = tpu.vector_load_idx %arg8[%xor3A_19] : memref<16xf32, #tpu.memory_space<vmem>>[vector<16xi32>], vector<16xf32>,
    %max3A = arith.maximumf %scan3A_15, %gather3A : vector<16xf32>
    %swap3A_20 = arith.constant 0 : index
    %swap3A_21 = tpu.vector_load %arg8[%swap3A_20] {strides = array<i32>} : memref<16xf32, #tpu.memory_space<vmem>>, vector<16xf32>,
    tpu.vector_store %arg8[%swap3A_20], %max3A {strides = array<i32>} : memref<16xf32, #tpu.memory_space<vmem>>, vector<16xf32>,
    %xor3A_22 = arith.constant 2 : i32
    %xor3A_23 = vector.broadcast %xor3A_22 : i32 to vector<16xi32>
    %xor3A_24 = arith.xori %iota3A, %xor3A_23 : vector<16xi32>
    %gather3A_25 = tpu.vector_load_idx %arg8[%xor3A_24] : memref<16xf32, #tpu.memory_space<vmem>>[vector<16xi32>], vector<16xf32>,
    %max3A_26 = arith.maximumf %max3A, %gather3A_25 : vector<16xf32>
    %swap3A_27 = arith.constant 0 : index
    %swap3A_28 = tpu.vector_load %arg8[%swap3A_27] {strides = array<i32>} : memref<16xf32, #tpu.memory_space<vmem>>, vector<16xf32>,
    tpu.vector_store %arg8[%swap3A_27], %max3A_26 {strides = array<i32>} : memref<16xf32, #tpu.memory_space<vmem>>, vector<16xf32>,
    %xor3A_29 = arith.constant 4 : i32
    %xor3A_30 = vector.broadcast %xor3A_29 : i32 to vector<16xi32>
    %xor3A_31 = arith.xori %iota3A, %xor3A_30 : vector<16xi32>
    %gather3A_32 = tpu.vector_load_idx %arg8[%xor3A_31] : memref<16xf32, #tpu.memory_space<vmem>>[vector<16xi32>], vector<16xf32>,
    %max3A_33 = arith.maximumf %max3A_26, %gather3A_32 : vector<16xf32>
    %swap3A_34 = arith.constant 0 : index
    %swap3A_35 = tpu.vector_load %arg8[%swap3A_34] {strides = array<i32>} : memref<16xf32, #tpu.memory_space<vmem>>, vector<16xf32>,
    tpu.vector_store %arg8[%swap3A_34], %max3A_33 {strides = array<i32>} : memref<16xf32, #tpu.memory_space<vmem>>, vector<16xf32>,
    %xor3A_36 = arith.constant 8 : i32
    %xor3A_37 = vector.broadcast %xor3A_36 : i32 to vector<16xi32>
    %xor3A_38 = arith.xori %iota3A, %xor3A_37 : vector<16xi32>
    %gather3A_39 = tpu.vector_load_idx %arg8[%xor3A_38] : memref<16xf32, #tpu.memory_space<vmem>>[vector<16xi32>], vector<16xf32>,
    %max3A_40 = arith.maximumf %max3A_33, %gather3A_39 : vector<16xf32>
    %eq3A = arith.cmpf oeq, %scan3A_15, %max3A_40 : vector<16xf32>
    %all_reduce_ffs3A = tpu.all_reduce %eq3A {dim = 0 : i64, kind = #tpu.reduction_kind<find_first_set>} : vector<16xi1> -> vector<16xi32>
    %eq3A_41 = arith.cmpi eq, %iota3A, %all_reduce_ffs3A : vector<16xi32>
    %jit3A = arith.constant 0xFF800000 : f32
    %broadcast_in_dim3A_42 = vector.broadcast %jit3A : f32 to vector<16xf32>
    %select_n3A = arith.select %eq3A_41, %broadcast_in_dim3A_42, %scan3A_15 : vector<16xi1>, vector<16xf32>
    %swap3A_43 = arith.constant 0 : index
    %swap3A_44 = tpu.vector_load %arg8[%swap3A_43] {strides = array<i32>} : memref<16xf32, #tpu.memory_space<vmem>>, vector<16xf32>,
    tpu.vector_store %arg8[%swap3A_43], %select_n3A {strides = array<i32>} : memref<16xf32, #tpu.memory_space<vmem>>, vector<16xf32>,
    %xor3A_45 = arith.constant 1 : i32
    %xor3A_46 = vector.broadcast %xor3A_45 : i32 to vector<16xi32>
    %xor3A_47 = arith.xori %iota3A, %xor3A_46 : vector<16xi32>
    %gather3A_48 = tpu.vector_load_idx %arg8[%xor3A_47] : memref<16xf32, #tpu.memory_space<vmem>>[vector<16xi32>], vector<16xf32>,
    %max3A_49 = arith.maximumf %select_n3A, %gather3A_48 : vector<16xf32>
    %swap3A_50 = arith.constant 0 : index
    %swap3A_51 = tpu.vector_load %arg8[%swap3A_50] {strides = array<i32>} : memref<16xf32, #tpu.memory_space<vmem>>, vector<16xf32>,
    tpu.vector_store %arg8[%swap3A_50], %max3A_49 {strides = array<i32>} : memref<16xf32, #tpu.memory_space<vmem>>, vector<16xf32>,
    %xor3A_52 = arith.constant 2 : i32
    %xor3A_53 = vector.broadcast %xor3A_52 : i32 to vector<16xi32>
    %xor3A_54 = arith.xori %iota3A, %xor3A_53 : vector<16xi32>
    %gather3A_55 = tpu.vector_load_idx %arg8[%xor3A_54] : memref<16xf32, #tpu.memory_space<vmem>>[vector<16xi32>], vector<16xf32>,
    %max3A_56 = arith.maximumf %max3A_49, %gather3A_55 : vector<16xf32>
    %swap3A_57 = arith.constant 0 : index
    %swap3A_58 = tpu.vector_load %arg8[%swap3A_57] {strides = array<i32>} : memref<16xf32, #tpu.memory_space<vmem>>, vector<16xf32>,
    tpu.vector_store %arg8[%swap3A_57], %max3A_56 {strides = array<i32>} : memref<16xf32, #tpu.memory_space<vmem>>, vector<16xf32>,
    %xor3A_59 = arith.constant 4 : i32
    %xor3A_60 = vector.broadcast %xor3A_59 : i32 to vector<16xi32>
    %xor3A_61 = arith.xori %iota3A, %xor3A_60 : vector<16xi32>
    %gather3A_62 = tpu.vector_load_idx %arg8[%xor3A_61] : memref<16xf32, #tpu.memory_space<vmem>>[vector<16xi32>], vector<16xf32>,
    %max3A_63 = arith.maximumf %max3A_56, %gather3A_62 : vector<16xf32>
    %swap3A_64 = arith.constant 0 : index
    %swap3A_65 = tpu.vector_load %arg8[%swap3A_64] {strides = array<i32>} : memref<16xf32, #tpu.memory_space<vmem>>, vector<16xf32>,
    tpu.vector_store %arg8[%swap3A_64], %max3A_63 {strides = array<i32>} : memref<16xf32, #tpu.memory_space<vmem>>, vector<16xf32>,
    %xor3A_66 = arith.constant 8 : i32
    %xor3A_67 = vector.broadcast %xor3A_66 : i32 to vector<16xi32>
    %xor3A_68 = arith.xori %iota3A, %xor3A_67 : vector<16xi32>
    %gather3A_69 = tpu.vector_load_idx %arg8[%xor3A_68] : memref<16xf32, #tpu.memory_space<vmem>>[vector<16xi32>], vector<16xf32>,
    %max3A_70 = arith.maximumf %max3A_63, %gather3A_69 : vector<16xf32>
    %eq3A_71 = arith.cmpf oeq, %select_n3A, %max3A_70 : vector<16xf32>
    %all_reduce_ffs3A_72 = tpu.all_reduce %eq3A_71 {dim = 0 : i64, kind = #tpu.reduction_kind<find_first_set>} : vector<16xi1> -> vector<16xi32>
    %eq3A_73 = arith.cmpi eq, %iota3A, %all_reduce_ffs3A_72 : vector<16xi32>
    %sub3A = arith.subf %max3A_70, %max3A_40 : vector<16xf32>
    %exp3A = math.exp %sub3A : vector<16xf32>
    %add3A_74 = arith.constant 1.000000e+00 : f32
    %add3A_75 = vector.broadcast %add3A_74 : f32 to vector<16xf32>
    %add3A_76 = arith.addf %add3A_75, %exp3A : vector<16xf32>
    %div3A = arith.constant 1.000000e+00 : f32
    %div3A_77 = vector.broadcast %div3A : f32 to vector<16xf32>
    %div3A_78 = arith.divf %div3A_77, %add3A_76 : vector<16xf32>
    %div3A_79 = arith.divf %exp3A, %add3A_76 : vector<16xf32>
    %jit3A_80 = arith.constant 0.000000e+00 : f32
    %broadcast_in_dim3A_81 = vector.broadcast %jit3A_80 : f32 to vector<16xf32>
    %select_n3A_82 = arith.select %eq3A_73, %div3A_79, %broadcast_in_dim3A_81 : vector<16xi1>, vector<16xf32>
    %select_n3A_83 = arith.select %eq3A_41, %div3A_78, %select_n3A_82 : vector<16xi1>, vector<16xf32>
    %swap3A_84 = arith.constant 0 : index
    %swap3A_85 = tpu.vector_load %arg7[%swap3A_84] {strides = array<i32>} : memref<16xf32, #tpu.memory_space<vmem>>, vector<16xf32>,
    tpu.vector_store %arg7[%swap3A_84], %select_n3A_83 {strides = array<i32>} : memref<16xf32, #tpu.memory_space<vmem>>, vector<16xf32>,
    "tpu.region"() ({
      %run_scoped3A = tpu.sem_alloc : memref<!tpu.dma_semaphore, #tpu.memory_space<semaphore_mem>>
      %dma_start3A_86 = arith.constant 0 : i32
      %dma_start3A_87 = tpu.memref_slice %arg4[%add3A, %dma_start3A_86] : memref<32x16xf32, #tpu.memory_space<hbm>> -> memref<1x16xf32, #tpu.memory_space<hbm>>
      %dma_start3A_88 = tpu.memref_squeeze %dma_start3A_87 : memref<1x16xf32, #tpu.memory_space<hbm>> -> memref<16xf32, #tpu.memory_space<hbm>>
      %dma_start3A_89 = arith.constant 0 : i32
      %dma_start3A_90 = tpu.memref_slice %arg4[%add3A, %dma_start3A_89] : memref<32x16xf32, #tpu.memory_space<hbm>> -> memref<1x16xf32, #tpu.memory_space<hbm>>
      %dma_start3A_91 = tpu.memref_squeeze %dma_start3A_90 : memref<1x16xf32, #tpu.memory_space<hbm>> -> memref<16xf32, #tpu.memory_space<hbm>>
      tpu.enqueue_dma source(%arg7 : memref<16xf32, #tpu.memory_space<vmem>>) target(%dma_start3A_91 : memref<16xf32, #tpu.memory_space<hbm>>) target_semaphore(%run_scoped3A : memref<!tpu.dma_semaphore, #tpu.memory_space<semaphore_mem>>)
      %dma_wait3A_92 = arith.constant 0 : i32
      %dma_wait3A_93 = tpu.memref_slice %arg4[%add3A, %dma_wait3A_92] : memref<32x16xf32, #tpu.memory_space<hbm>> -> memref<1x16xf32, #tpu.memory_space<hbm>>
      %dma_wait3A_94 = tpu.memref_squeeze %dma_wait3A_93 : memref<1x16xf32, #tpu.memory_space<hbm>> -> memref<16xf32, #tpu.memory_space<hbm>>
      %dma_wait3A_95 = arith.constant 0 : i32
      %dma_wait3A_96 = tpu.memref_slice %arg4[%add3A, %dma_wait3A_95] : memref<32x16xf32, #tpu.memory_space<hbm>> -> memref<1x16xf32, #tpu.memory_space<hbm>>
      %dma_wait3A_97 = tpu.memref_squeeze %dma_wait3A_96 : memref<1x16xf32, #tpu.memory_space<hbm>> -> memref<16xf32, #tpu.memory_space<hbm>>
      tpu.wait_dma2 semaphore(%run_scoped3A : memref<!tpu.dma_semaphore, #tpu.memory_space<semaphore_mem>>) src(%arg7 : memref<16xf32, #tpu.memory_space<vmem>>) dst(%dma_wait3A_97 : memref<16xf32, #tpu.memory_space<hbm>>)
      tpu.yield
    }) : () -> ()
    return
  }
}

module attributes {stable_mosaic.version = 14 : i64} {
  func.func @_moe_body(%arg0: i32, %arg1: i32, %arg2: memref<32x1024xf32, #tpu.memory_space<vmem>>, %arg3: memref<1x1024x1024xf32, #tpu.memory_space<vmem>>, %arg4: memref<1x1024x1024xf32, #tpu.memory_space<vmem>>, %arg5: memref<1x1024x1024xf32, #tpu.memory_space<vmem>>, %arg6: memref<1x32x1024xf32, #tpu.memory_space<vmem>>) attributes {dimension_semantics = [#tpu.dimension_semantics<arbitrary>, #tpu.dimension_semantics<arbitrary>], iteration_bounds = array<i64: 16, 2>, scalar_prefetch = 0 : i64, scratch_operands = 0 : i64, tpu.core_type = #tpu.core_type<tc>, window_params = [{pipeline_mode = #tpu.pipeline_mode<synchronous>, transform_indices = @transform_0, window_bounds = array<i64: 32, 1024>}, {transform_indices = @transform_1, window_bounds = array<i64: 1, 1024, 1024>}, {transform_indices = @transform_2, window_bounds = array<i64: 1, 1024, 1024>}, {transform_indices = @transform_3, window_bounds = array<i64: 1, 1024, 1024>}, {transform_indices = @transform_4, window_bounds = array<i64: 1, 32, 1024>}]} {
    %eq3A = arith.constant 0 : i32
    %eq3A_0 = arith.cmpi eq, %arg1, %eq3A : i32
    %convert_element_type3A = arith.extui %eq3A_0 : i1 to i32
    %cond3A = arith.constant 0 : i32
    %cond3A_1 = arith.cmpi ne, %convert_element_type3A, %cond3A : i32
    scf.if %cond3A_1 {
      %broadcast_in_dim3A = arith.constant 0.000000e+00 : f32
      %broadcast_in_dim3A_40 = vector.broadcast %broadcast_in_dim3A : f32 to vector<1x32x1024xf32>
      %swap3A_41 = arith.constant 0 : index
      %swap3A_42 = arith.constant 0 : index
      %swap3A_43 = arith.constant 0 : index
      %swap3A_44 = vector.load %arg6[%swap3A_41, %swap3A_42, %swap3A_43] : memref<1x32x1024xf32, #tpu.memory_space<vmem>>, vector<1x32x1024xf32>
      tpu.vector_store %arg6[%swap3A_41, %swap3A_42, %swap3A_43], %broadcast_in_dim3A_40 {strides = array<i32>} : memref<1x32x1024xf32, #tpu.memory_space<vmem>>, vector<1x32x1024xf32>,
    } else {
    }
    %get3A = arith.constant 0 : index
    %get3A_2 = arith.constant 0 : index
    %get3A_3 = vector.load %arg2[%get3A, %get3A_2] : memref<32x1024xf32, #tpu.memory_space<vmem>>, vector<32x1024xf32>
    %get3A_4 = arith.constant 0 : index
    %get3A_5 = arith.constant 0 : index
    %get3A_6 = arith.constant 0 : index
    %get3A_7 = vector.load %arg3[%get3A_4, %get3A_5, %get3A_6] : memref<1x1024x1024xf32, #tpu.memory_space<vmem>>, vector<1x1024x1024xf32>
    %get3A_8 = vector.shape_cast %get3A_7 : vector<1x1024x1024xf32> to vector<1024x1024xf32>
    %dot_general3A = arith.constant dense<0.000000e+00> : vector<32x1024xf32>
    %dot_general3A_9 = tpu.matmul %get3A_3, %get3A_8, %dot_general3A {dimension_numbers = #tpu.dot_dimension_numbers<[1], [1], [0], [0], [0, 0, 1, 0], [], []>, transpose_lhs_hint = false} : vector<32x1024xf32>, vector<1024x1024xf32>, vector<32x1024xf32> -> vector<32x1024xf32>
    %get3A_10 = arith.constant 0 : index
    %get3A_11 = arith.constant 0 : index
    %get3A_12 = arith.constant 0 : index
    %get3A_13 = vector.load %arg4[%get3A_10, %get3A_11, %get3A_12] : memref<1x1024x1024xf32, #tpu.memory_space<vmem>>, vector<1x1024x1024xf32>
    %get3A_14 = vector.shape_cast %get3A_13 : vector<1x1024x1024xf32> to vector<1024x1024xf32>
    %dot_general3A_15 = arith.constant dense<0.000000e+00> : vector<32x1024xf32>
    %dot_general3A_16 = tpu.matmul %get3A_3, %get3A_14, %dot_general3A_15 {dimension_numbers = #tpu.dot_dimension_numbers<[1], [1], [0], [0], [0, 0, 1, 0], [], []>, transpose_lhs_hint = false} : vector<32x1024xf32>, vector<1024x1024xf32>, vector<32x1024xf32> -> vector<32x1024xf32>
    %logistic3A = arith.negf %dot_general3A_9 : vector<32x1024xf32>
    %logistic3A_17 = math.exp %logistic3A : vector<32x1024xf32>
    %logistic3A_18 = arith.constant 1.000000e+00 : f32
    %logistic3A_19 = vector.broadcast %logistic3A_18 : f32 to vector<32x1024xf32>
    %logistic3A_20 = arith.addf %logistic3A_19, %logistic3A_17 : vector<32x1024xf32>
    %logistic3A_21 = arith.divf %logistic3A_19, %logistic3A_20 : vector<32x1024xf32>
    %mul3A = arith.mulf %dot_general3A_9, %logistic3A_21 : vector<32x1024xf32>
    %mul3A_22 = arith.mulf %mul3A, %dot_general3A_16 : vector<32x1024xf32>
    %get3A_23 = arith.constant 0 : index
    %get3A_24 = arith.constant 0 : index
    %get3A_25 = arith.constant 0 : index
    %get3A_26 = vector.load %arg5[%get3A_23, %get3A_24, %get3A_25] : memref<1x1024x1024xf32, #tpu.memory_space<vmem>>, vector<1x1024x1024xf32>
    %get3A_27 = vector.shape_cast %get3A_26 : vector<1x1024x1024xf32> to vector<1024x1024xf32>
    %dot_general3A_28 = arith.constant dense<0.000000e+00> : vector<32x1024xf32>
    %dot_general3A_29 = tpu.matmul %mul3A_22, %get3A_27, %dot_general3A_28 {dimension_numbers = #tpu.dot_dimension_numbers<[1], [1], [0], [0], [0, 0, 1, 0], [], []>, transpose_lhs_hint = false} : vector<32x1024xf32>, vector<1024x1024xf32>, vector<32x1024xf32> -> vector<32x1024xf32>
    %get3A_30 = arith.constant 0 : index
    %get3A_31 = arith.constant 0 : index
    %get3A_32 = arith.constant 0 : index
    %get3A_33 = vector.load %arg6[%get3A_30, %get3A_31, %get3A_32] : memref<1x32x1024xf32, #tpu.memory_space<vmem>>, vector<1x32x1024xf32>
    %get3A_34 = vector.shape_cast %get3A_33 : vector<1x32x1024xf32> to vector<32x1024xf32>
    %add3A = arith.addf %get3A_34, %dot_general3A_29 : vector<32x1024xf32>
    %swap3A = arith.constant 0 : index
    %swap3A_35 = arith.constant 0 : index
    %swap3A_36 = arith.constant 0 : index
    %swap3A_37 = vector.load %arg6[%swap3A, %swap3A_35, %swap3A_36] : memref<1x32x1024xf32, #tpu.memory_space<vmem>>, vector<1x32x1024xf32>
    %swap3A_38 = vector.shape_cast %swap3A_37 : vector<1x32x1024xf32> to vector<32x1024xf32>
    %swap3A_39 = vector.shape_cast %add3A : vector<32x1024xf32> to vector<1x32x1024xf32>
    tpu.vector_store %arg6[%swap3A, %swap3A_35, %swap3A_36], %swap3A_39 {strides = array<i32>} : memref<1x32x1024xf32, #tpu.memory_space<vmem>>, vector<1x32x1024xf32>,
    return
  }
  func.func @transform_0(%arg0: i32, %arg1: i32) -> (i32, i32) {
    %c0_i32 = arith.constant 0 : i32
    %c0_i32_0 = arith.constant 0 : i32
    %c0_i32_1 = arith.constant 0 : i32
    return %c0_i32, %c0_i32_0 : i32, i32
  }
  func.func @transform_1(%arg0: i32, %arg1: i32) -> (i32, i32, i32) {
    %c0_i32 = arith.constant 0 : i32
    %c0_i32_0 = arith.constant 0 : i32
    return %arg0, %arg1, %c0_i32 : i32, i32, i32
  }
  func.func @transform_2(%arg0: i32, %arg1: i32) -> (i32, i32, i32) {
    %add3A = arith.constant 2 : i32
    %add3A_0 = arith.addi %add3A, %arg1 : i32
    %c0_i32 = arith.constant 0 : i32
    %c0_i32_1 = arith.constant 0 : i32
    return %arg0, %add3A_0, %c0_i32 : i32, i32, i32
  }
  func.func @transform_3(%arg0: i32, %arg1: i32) -> (i32, i32, i32) {
    %c0_i32 = arith.constant 0 : i32
    %c0_i32_0 = arith.constant 0 : i32
    return %arg0, %c0_i32, %arg1 : i32, i32, i32
  }
  func.func @transform_4(%arg0: i32, %arg1: i32) -> (i32, i32, i32) {
    %c0_i32 = arith.constant 0 : i32
    %c0_i32_0 = arith.constant 0 : i32
    %c0_i32_1 = arith.constant 0 : i32
    return %arg0, %c0_i32, %c0_i32_0 : i32, i32, i32
  }
}

module attributes {stable_mosaic.version = 14 : i64} {
  func.func @_combine_body(%arg0: memref<16x32x1024xf32, #tpu.memory_space<vmem>>, %arg1: memref<32x16xf32, #tpu.memory_space<vmem>>, %arg2: memref<32x1024xf32, #tpu.memory_space<vmem>>) attributes {dimension_semantics = [], scalar_prefetch = 0 : i64, scratch_operands = 0 : i64, tpu.core_type = #tpu.core_type<tc>} {
    %get3A = arith.constant 0 : index
    %get3A_0 = arith.constant 0 : index
    %get3A_1 = vector.load %arg1[%get3A, %get3A_0] : memref<32x16xf32, #tpu.memory_space<vmem>>, vector<32x16xf32>
    %broadcast_in_dim3A = arith.constant 0.000000e+00 : f32
    %broadcast_in_dim3A_2 = vector.broadcast %broadcast_in_dim3A : f32 to vector<32x1024xf32>
    %iota3A = tpu.iota {dimensions = array<i32: 0>} : vector<16x1xi32>
    %eq3A = arith.constant 0 : i32
    %eq3A_3 = vector.broadcast %eq3A : i32 to vector<16x1xi32>
    %eq3A_4 = arith.cmpi eq, %iota3A, %eq3A_3 : vector<16x1xi32>
    %convert_element_type3A = arith.extui %eq3A_4 : vector<16x1xi1> to vector<16x1xi32>
    %convert_element_type3A_5 = arith.sitofp %convert_element_type3A : vector<16x1xi32> to vector<16x1xf32>
    %dot_general3A = arith.constant dense<0.000000e+00> : vector<32x1xf32>
    %dot_general3A_6 = tpu.matmul %get3A_1, %convert_element_type3A_5, %dot_general3A {dimension_numbers = #tpu.dot_dimension_numbers<[1], [0], [0], [1], [0, 0, 1, 1], [], []>, transpose_lhs_hint = false} : vector<32x16xf32>, vector<16x1xf32>, vector<32x1xf32> -> vector<32x1xf32>
    %get3A_7 = arith.constant 0 : index
    %get3A_8 = arith.constant 0 : index
    %get3A_9 = arith.constant 0 : index
    %get3A_10 = vector.load %arg0[%get3A_7, %get3A_8, %get3A_9] : memref<16x32x1024xf32, #tpu.memory_space<vmem>>, vector<1x32x1024xf32>
    %get3A_11 = vector.shape_cast %get3A_10 : vector<1x32x1024xf32> to vector<32x1024xf32>
    %mul3A = vector.broadcast %dot_general3A_6 : vector<32x1xf32> to vector<32x1024xf32>
    %mul3A_12 = arith.mulf %get3A_11, %mul3A : vector<32x1024xf32>
    %add3A = arith.addf %broadcast_in_dim3A_2, %mul3A_12 : vector<32x1024xf32>
    %iota3A_13 = tpu.iota {dimensions = array<i32: 0>} : vector<16x1xi32>
    %eq3A_14 = arith.constant 1 : i32
    %eq3A_15 = vector.broadcast %eq3A_14 : i32 to vector<16x1xi32>
    %eq3A_16 = arith.cmpi eq, %iota3A_13, %eq3A_15 : vector<16x1xi32>
    %convert_element_type3A_17 = arith.extui %eq3A_16 : vector<16x1xi1> to vector<16x1xi32>
    %convert_element_type3A_18 = arith.sitofp %convert_element_type3A_17 : vector<16x1xi32> to vector<16x1xf32>
    %dot_general3A_19 = arith.constant dense<0.000000e+00> : vector<32x1xf32>
    %dot_general3A_20 = tpu.matmul %get3A_1, %convert_element_type3A_18, %dot_general3A_19 {dimension_numbers = #tpu.dot_dimension_numbers<[1], [0], [0], [1], [0, 0, 1, 1], [], []>, transpose_lhs_hint = false} : vector<32x16xf32>, vector<16x1xf32>, vector<32x1xf32> -> vector<32x1xf32>
    %get3A_21 = arith.constant 1 : index
    %get3A_22 = arith.constant 0 : index
    %get3A_23 = arith.constant 0 : index
    %get3A_24 = vector.load %arg0[%get3A_21, %get3A_22, %get3A_23] : memref<16x32x1024xf32, #tpu.memory_space<vmem>>, vector<1x32x1024xf32>
    %get3A_25 = vector.shape_cast %get3A_24 : vector<1x32x1024xf32> to vector<32x1024xf32>
    %mul3A_26 = vector.broadcast %dot_general3A_20 : vector<32x1xf32> to vector<32x1024xf32>
    %mul3A_27 = arith.mulf %get3A_25, %mul3A_26 : vector<32x1024xf32>
    %add3A_28 = arith.addf %add3A, %mul3A_27 : vector<32x1024xf32>
    %iota3A_29 = tpu.iota {dimensions = array<i32: 0>} : vector<16x1xi32>
    %eq3A_30 = arith.constant 2 : i32
    %eq3A_31 = vector.broadcast %eq3A_30 : i32 to vector<16x1xi32>
    %eq3A_32 = arith.cmpi eq, %iota3A_29, %eq3A_31 : vector<16x1xi32>
    %convert_element_type3A_33 = arith.extui %eq3A_32 : vector<16x1xi1> to vector<16x1xi32>
    %convert_element_type3A_34 = arith.sitofp %convert_element_type3A_33 : vector<16x1xi32> to vector<16x1xf32>
    %dot_general3A_35 = arith.constant dense<0.000000e+00> : vector<32x1xf32>
    %dot_general3A_36 = tpu.matmul %get3A_1, %convert_element_type3A_34, %dot_general3A_35 {dimension_numbers = #tpu.dot_dimension_numbers<[1], [0], [0], [1], [0, 0, 1, 1], [], []>, transpose_lhs_hint = false} : vector<32x16xf32>, vector<16x1xf32>, vector<32x1xf32> -> vector<32x1xf32>
    %get3A_37 = arith.constant 2 : index
    %get3A_38 = arith.constant 0 : index
    %get3A_39 = arith.constant 0 : index
    %get3A_40 = vector.load %arg0[%get3A_37, %get3A_38, %get3A_39] : memref<16x32x1024xf32, #tpu.memory_space<vmem>>, vector<1x32x1024xf32>
    %get3A_41 = vector.shape_cast %get3A_40 : vector<1x32x1024xf32> to vector<32x1024xf32>
    %mul3A_42 = vector.broadcast %dot_general3A_36 : vector<32x1xf32> to vector<32x1024xf32>
    %mul3A_43 = arith.mulf %get3A_41, %mul3A_42 : vector<32x1024xf32>
    %add3A_44 = arith.addf %add3A_28, %mul3A_43 : vector<32x1024xf32>
    %iota3A_45 = tpu.iota {dimensions = array<i32: 0>} : vector<16x1xi32>
    %eq3A_46 = arith.constant 3 : i32
    %eq3A_47 = vector.broadcast %eq3A_46 : i32 to vector<16x1xi32>
    %eq3A_48 = arith.cmpi eq, %iota3A_45, %eq3A_47 : vector<16x1xi32>
    %convert_element_type3A_49 = arith.extui %eq3A_48 : vector<16x1xi1> to vector<16x1xi32>
    %convert_element_type3A_50 = arith.sitofp %convert_element_type3A_49 : vector<16x1xi32> to vector<16x1xf32>
    %dot_general3A_51 = arith.constant dense<0.000000e+00> : vector<32x1xf32>
    %dot_general3A_52 = tpu.matmul %get3A_1, %convert_element_type3A_50, %dot_general3A_51 {dimension_numbers = #tpu.dot_dimension_numbers<[1], [0], [0], [1], [0, 0, 1, 1], [], []>, transpose_lhs_hint = false} : vector<32x16xf32>, vector<16x1xf32>, vector<32x1xf32> -> vector<32x1xf32>
    %get3A_53 = arith.constant 3 : index
    %get3A_54 = arith.constant 0 : index
    %get3A_55 = arith.constant 0 : index
    %get3A_56 = vector.load %arg0[%get3A_53, %get3A_54, %get3A_55] : memref<16x32x1024xf32, #tpu.memory_space<vmem>>, vector<1x32x1024xf32>
    %get3A_57 = vector.shape_cast %get3A_56 : vector<1x32x1024xf32> to vector<32x1024xf32>
    %mul3A_58 = vector.broadcast %dot_general3A_52 : vector<32x1xf32> to vector<32x1024xf32>
    %mul3A_59 = arith.mulf %get3A_57, %mul3A_58 : vector<32x1024xf32>
    %add3A_60 = arith.addf %add3A_44, %mul3A_59 : vector<32x1024xf32>
    %iota3A_61 = tpu.iota {dimensions = array<i32: 0>} : vector<16x1xi32>
    %eq3A_62 = arith.constant 4 : i32
    %eq3A_63 = vector.broadcast %eq3A_62 : i32 to vector<16x1xi32>
    %eq3A_64 = arith.cmpi eq, %iota3A_61, %eq3A_63 : vector<16x1xi32>
    %convert_element_type3A_65 = arith.extui %eq3A_64 : vector<16x1xi1> to vector<16x1xi32>
    %convert_element_type3A_66 = arith.sitofp %convert_element_type3A_65 : vector<16x1xi32> to vector<16x1xf32>
    %dot_general3A_67 = arith.constant dense<0.000000e+00> : vector<32x1xf32>
    %dot_general3A_68 = tpu.matmul %get3A_1, %convert_element_type3A_66, %dot_general3A_67 {dimension_numbers = #tpu.dot_dimension_numbers<[1], [0], [0], [1], [0, 0, 1, 1], [], []>, transpose_lhs_hint = false} : vector<32x16xf32>, vector<16x1xf32>, vector<32x1xf32> -> vector<32x1xf32>
    %get3A_69 = arith.constant 4 : index
    %get3A_70 = arith.constant 0 : index
    %get3A_71 = arith.constant 0 : index
    %get3A_72 = vector.load %arg0[%get3A_69, %get3A_70, %get3A_71] : memref<16x32x1024xf32, #tpu.memory_space<vmem>>, vector<1x32x1024xf32>
    %get3A_73 = vector.shape_cast %get3A_72 : vector<1x32x1024xf32> to vector<32x1024xf32>
    %mul3A_74 = vector.broadcast %dot_general3A_68 : vector<32x1xf32> to vector<32x1024xf32>
    %mul3A_75 = arith.mulf %get3A_73, %mul3A_74 : vector<32x1024xf32>
    %add3A_76 = arith.addf %add3A_60, %mul3A_75 : vector<32x1024xf32>
    %iota3A_77 = tpu.iota {dimensions = array<i32: 0>} : vector<16x1xi32>
    %eq3A_78 = arith.constant 5 : i32
    %eq3A_79 = vector.broadcast %eq3A_78 : i32 to vector<16x1xi32>
    %eq3A_80 = arith.cmpi eq, %iota3A_77, %eq3A_79 : vector<16x1xi32>
    %convert_element_type3A_81 = arith.extui %eq3A_80 : vector<16x1xi1> to vector<16x1xi32>
    %convert_element_type3A_82 = arith.sitofp %convert_element_type3A_81 : vector<16x1xi32> to vector<16x1xf32>
    %dot_general3A_83 = arith.constant dense<0.000000e+00> : vector<32x1xf32>
    %dot_general3A_84 = tpu.matmul %get3A_1, %convert_element_type3A_82, %dot_general3A_83 {dimension_numbers = #tpu.dot_dimension_numbers<[1], [0], [0], [1], [0, 0, 1, 1], [], []>, transpose_lhs_hint = false} : vector<32x16xf32>, vector<16x1xf32>, vector<32x1xf32> -> vector<32x1xf32>
    %get3A_85 = arith.constant 5 : index
    %get3A_86 = arith.constant 0 : index
    %get3A_87 = arith.constant 0 : index
    %get3A_88 = vector.load %arg0[%get3A_85, %get3A_86, %get3A_87] : memref<16x32x1024xf32, #tpu.memory_space<vmem>>, vector<1x32x1024xf32>
    %get3A_89 = vector.shape_cast %get3A_88 : vector<1x32x1024xf32> to vector<32x1024xf32>
    %mul3A_90 = vector.broadcast %dot_general3A_84 : vector<32x1xf32> to vector<32x1024xf32>
    %mul3A_91 = arith.mulf %get3A_89, %mul3A_90 : vector<32x1024xf32>
    %add3A_92 = arith.addf %add3A_76, %mul3A_91 : vector<32x1024xf32>
    %iota3A_93 = tpu.iota {dimensions = array<i32: 0>} : vector<16x1xi32>
    %eq3A_94 = arith.constant 6 : i32
    %eq3A_95 = vector.broadcast %eq3A_94 : i32 to vector<16x1xi32>
    %eq3A_96 = arith.cmpi eq, %iota3A_93, %eq3A_95 : vector<16x1xi32>
    %convert_element_type3A_97 = arith.extui %eq3A_96 : vector<16x1xi1> to vector<16x1xi32>
    %convert_element_type3A_98 = arith.sitofp %convert_element_type3A_97 : vector<16x1xi32> to vector<16x1xf32>
    %dot_general3A_99 = arith.constant dense<0.000000e+00> : vector<32x1xf32>
    %dot_general3A_100 = tpu.matmul %get3A_1, %convert_element_type3A_98, %dot_general3A_99 {dimension_numbers = #tpu.dot_dimension_numbers<[1], [0], [0], [1], [0, 0, 1, 1], [], []>, transpose_lhs_hint = false} : vector<32x16xf32>, vector<16x1xf32>, vector<32x1xf32> -> vector<32x1xf32>
    %get3A_101 = arith.constant 6 : index
    %get3A_102 = arith.constant 0 : index
    %get3A_103 = arith.constant 0 : index
    %get3A_104 = vector.load %arg0[%get3A_101, %get3A_102, %get3A_103] : memref<16x32x1024xf32, #tpu.memory_space<vmem>>, vector<1x32x1024xf32>
    %get3A_105 = vector.shape_cast %get3A_104 : vector<1x32x1024xf32> to vector<32x1024xf32>
    %mul3A_106 = vector.broadcast %dot_general3A_100 : vector<32x1xf32> to vector<32x1024xf32>
    %mul3A_107 = arith.mulf %get3A_105, %mul3A_106 : vector<32x1024xf32>
    %add3A_108 = arith.addf %add3A_92, %mul3A_107 : vector<32x1024xf32>
    %iota3A_109 = tpu.iota {dimensions = array<i32: 0>} : vector<16x1xi32>
    %eq3A_110 = arith.constant 7 : i32
    %eq3A_111 = vector.broadcast %eq3A_110 : i32 to vector<16x1xi32>
    %eq3A_112 = arith.cmpi eq, %iota3A_109, %eq3A_111 : vector<16x1xi32>
    %convert_element_type3A_113 = arith.extui %eq3A_112 : vector<16x1xi1> to vector<16x1xi32>
    %convert_element_type3A_114 = arith.sitofp %convert_element_type3A_113 : vector<16x1xi32> to vector<16x1xf32>
    %dot_general3A_115 = arith.constant dense<0.000000e+00> : vector<32x1xf32>
    %dot_general3A_116 = tpu.matmul %get3A_1, %convert_element_type3A_114, %dot_general3A_115 {dimension_numbers = #tpu.dot_dimension_numbers<[1], [0], [0], [1], [0, 0, 1, 1], [], []>, transpose_lhs_hint = false} : vector<32x16xf32>, vector<16x1xf32>, vector<32x1xf32> -> vector<32x1xf32>
    %get3A_117 = arith.constant 7 : index
    %get3A_118 = arith.constant 0 : index
    %get3A_119 = arith.constant 0 : index
    %get3A_120 = vector.load %arg0[%get3A_117, %get3A_118, %get3A_119] : memref<16x32x1024xf32, #tpu.memory_space<vmem>>, vector<1x32x1024xf32>
    %get3A_121 = vector.shape_cast %get3A_120 : vector<1x32x1024xf32> to vector<32x1024xf32>
    %mul3A_122 = vector.broadcast %dot_general3A_116 : vector<32x1xf32> to vector<32x1024xf32>
    %mul3A_123 = arith.mulf %get3A_121, %mul3A_122 : vector<32x1024xf32>
    %add3A_124 = arith.addf %add3A_108, %mul3A_123 : vector<32x1024xf32>
    %iota3A_125 = tpu.iota {dimensions = array<i32: 0>} : vector<16x1xi32>
    %eq3A_126 = arith.constant 8 : i32
    %eq3A_127 = vector.broadcast %eq3A_126 : i32 to vector<16x1xi32>
    %eq3A_128 = arith.cmpi eq, %iota3A_125, %eq3A_127 : vector<16x1xi32>
    %convert_element_type3A_129 = arith.extui %eq3A_128 : vector<16x1xi1> to vector<16x1xi32>
    %convert_element_type3A_130 = arith.sitofp %convert_element_type3A_129 : vector<16x1xi32> to vector<16x1xf32>
    %dot_general3A_131 = arith.constant dense<0.000000e+00> : vector<32x1xf32>
    %dot_general3A_132 = tpu.matmul %get3A_1, %convert_element_type3A_130, %dot_general3A_131 {dimension_numbers = #tpu.dot_dimension_numbers<[1], [0], [0], [1], [0, 0, 1, 1], [], []>, transpose_lhs_hint = false} : vector<32x16xf32>, vector<16x1xf32>, vector<32x1xf32> -> vector<32x1xf32>
    %get3A_133 = arith.constant 8 : index
    %get3A_134 = arith.constant 0 : index
    %get3A_135 = arith.constant 0 : index
    %get3A_136 = vector.load %arg0[%get3A_133, %get3A_134, %get3A_135] : memref<16x32x1024xf32, #tpu.memory_space<vmem>>, vector<1x32x1024xf32>
    %get3A_137 = vector.shape_cast %get3A_136 : vector<1x32x1024xf32> to vector<32x1024xf32>
    %mul3A_138 = vector.broadcast %dot_general3A_132 : vector<32x1xf32> to vector<32x1024xf32>
    %mul3A_139 = arith.mulf %get3A_137, %mul3A_138 : vector<32x1024xf32>
    %add3A_140 = arith.addf %add3A_124, %mul3A_139 : vector<32x1024xf32>
    %iota3A_141 = tpu.iota {dimensions = array<i32: 0>} : vector<16x1xi32>
    %eq3A_142 = arith.constant 9 : i32
    %eq3A_143 = vector.broadcast %eq3A_142 : i32 to vector<16x1xi32>
    %eq3A_144 = arith.cmpi eq, %iota3A_141, %eq3A_143 : vector<16x1xi32>
    %convert_element_type3A_145 = arith.extui %eq3A_144 : vector<16x1xi1> to vector<16x1xi32>
    %convert_element_type3A_146 = arith.sitofp %convert_element_type3A_145 : vector<16x1xi32> to vector<16x1xf32>
    %dot_general3A_147 = arith.constant dense<0.000000e+00> : vector<32x1xf32>
    %dot_general3A_148 = tpu.matmul %get3A_1, %convert_element_type3A_146, %dot_general3A_147 {dimension_numbers = #tpu.dot_dimension_numbers<[1], [0], [0], [1], [0, 0, 1, 1], [], []>, transpose_lhs_hint = false} : vector<32x16xf32>, vector<16x1xf32>, vector<32x1xf32> -> vector<32x1xf32>
    %get3A_149 = arith.constant 9 : index
    %get3A_150 = arith.constant 0 : index
    %get3A_151 = arith.constant 0 : index
    %get3A_152 = vector.load %arg0[%get3A_149, %get3A_150, %get3A_151] : memref<16x32x1024xf32, #tpu.memory_space<vmem>>, vector<1x32x1024xf32>
    %get3A_153 = vector.shape_cast %get3A_152 : vector<1x32x1024xf32> to vector<32x1024xf32>
    %mul3A_154 = vector.broadcast %dot_general3A_148 : vector<32x1xf32> to vector<32x1024xf32>
    %mul3A_155 = arith.mulf %get3A_153, %mul3A_154 : vector<32x1024xf32>
    %add3A_156 = arith.addf %add3A_140, %mul3A_155 : vector<32x1024xf32>
    %iota3A_157 = tpu.iota {dimensions = array<i32: 0>} : vector<16x1xi32>
    %eq3A_158 = arith.constant 10 : i32
    %eq3A_159 = vector.broadcast %eq3A_158 : i32 to vector<16x1xi32>
    %eq3A_160 = arith.cmpi eq, %iota3A_157, %eq3A_159 : vector<16x1xi32>
    %convert_element_type3A_161 = arith.extui %eq3A_160 : vector<16x1xi1> to vector<16x1xi32>
    %convert_element_type3A_162 = arith.sitofp %convert_element_type3A_161 : vector<16x1xi32> to vector<16x1xf32>
    %dot_general3A_163 = arith.constant dense<0.000000e+00> : vector<32x1xf32>
    %dot_general3A_164 = tpu.matmul %get3A_1, %convert_element_type3A_162, %dot_general3A_163 {dimension_numbers = #tpu.dot_dimension_numbers<[1], [0], [0], [1], [0, 0, 1, 1], [], []>, transpose_lhs_hint = false} : vector<32x16xf32>, vector<16x1xf32>, vector<32x1xf32> -> vector<32x1xf32>
    %get3A_165 = arith.constant 10 : index
    %get3A_166 = arith.constant 0 : index
    %get3A_167 = arith.constant 0 : index
    %get3A_168 = vector.load %arg0[%get3A_165, %get3A_166, %get3A_167] : memref<16x32x1024xf32, #tpu.memory_space<vmem>>, vector<1x32x1024xf32>
    %get3A_169 = vector.shape_cast %get3A_168 : vector<1x32x1024xf32> to vector<32x1024xf32>
    %mul3A_170 = vector.broadcast %dot_general3A_164 : vector<32x1xf32> to vector<32x1024xf32>
    %mul3A_171 = arith.mulf %get3A_169, %mul3A_170 : vector<32x1024xf32>
    %add3A_172 = arith.addf %add3A_156, %mul3A_171 : vector<32x1024xf32>
    %iota3A_173 = tpu.iota {dimensions = array<i32: 0>} : vector<16x1xi32>
    %eq3A_174 = arith.constant 11 : i32
    %eq3A_175 = vector.broadcast %eq3A_174 : i32 to vector<16x1xi32>
    %eq3A_176 = arith.cmpi eq, %iota3A_173, %eq3A_175 : vector<16x1xi32>
    %convert_element_type3A_177 = arith.extui %eq3A_176 : vector<16x1xi1> to vector<16x1xi32>
    %convert_element_type3A_178 = arith.sitofp %convert_element_type3A_177 : vector<16x1xi32> to vector<16x1xf32>
    %dot_general3A_179 = arith.constant dense<0.000000e+00> : vector<32x1xf32>
    %dot_general3A_180 = tpu.matmul %get3A_1, %convert_element_type3A_178, %dot_general3A_179 {dimension_numbers = #tpu.dot_dimension_numbers<[1], [0], [0], [1], [0, 0, 1, 1], [], []>, transpose_lhs_hint = false} : vector<32x16xf32>, vector<16x1xf32>, vector<32x1xf32> -> vector<32x1xf32>
    %get3A_181 = arith.constant 11 : index
    %get3A_182 = arith.constant 0 : index
    %get3A_183 = arith.constant 0 : index
    %get3A_184 = vector.load %arg0[%get3A_181, %get3A_182, %get3A_183] : memref<16x32x1024xf32, #tpu.memory_space<vmem>>, vector<1x32x1024xf32>
    %get3A_185 = vector.shape_cast %get3A_184 : vector<1x32x1024xf32> to vector<32x1024xf32>
    %mul3A_186 = vector.broadcast %dot_general3A_180 : vector<32x1xf32> to vector<32x1024xf32>
    %mul3A_187 = arith.mulf %get3A_185, %mul3A_186 : vector<32x1024xf32>
    %add3A_188 = arith.addf %add3A_172, %mul3A_187 : vector<32x1024xf32>
    %iota3A_189 = tpu.iota {dimensions = array<i32: 0>} : vector<16x1xi32>
    %eq3A_190 = arith.constant 12 : i32
    %eq3A_191 = vector.broadcast %eq3A_190 : i32 to vector<16x1xi32>
    %eq3A_192 = arith.cmpi eq, %iota3A_189, %eq3A_191 : vector<16x1xi32>
    %convert_element_type3A_193 = arith.extui %eq3A_192 : vector<16x1xi1> to vector<16x1xi32>
    %convert_element_type3A_194 = arith.sitofp %convert_element_type3A_193 : vector<16x1xi32> to vector<16x1xf32>
    %dot_general3A_195 = arith.constant dense<0.000000e+00> : vector<32x1xf32>
    %dot_general3A_196 = tpu.matmul %get3A_1, %convert_element_type3A_194, %dot_general3A_195 {dimension_numbers = #tpu.dot_dimension_numbers<[1], [0], [0], [1], [0, 0, 1, 1], [], []>, transpose_lhs_hint = false} : vector<32x16xf32>, vector<16x1xf32>, vector<32x1xf32> -> vector<32x1xf32>
    %get3A_197 = arith.constant 12 : index
    %get3A_198 = arith.constant 0 : index
    %get3A_199 = arith.constant 0 : index
    %get3A_200 = vector.load %arg0[%get3A_197, %get3A_198, %get3A_199] : memref<16x32x1024xf32, #tpu.memory_space<vmem>>, vector<1x32x1024xf32>
    %get3A_201 = vector.shape_cast %get3A_200 : vector<1x32x1024xf32> to vector<32x1024xf32>
    %mul3A_202 = vector.broadcast %dot_general3A_196 : vector<32x1xf32> to vector<32x1024xf32>
    %mul3A_203 = arith.mulf %get3A_201, %mul3A_202 : vector<32x1024xf32>
    %add3A_204 = arith.addf %add3A_188, %mul3A_203 : vector<32x1024xf32>
    %iota3A_205 = tpu.iota {dimensions = array<i32: 0>} : vector<16x1xi32>
    %eq3A_206 = arith.constant 13 : i32
    %eq3A_207 = vector.broadcast %eq3A_206 : i32 to vector<16x1xi32>
    %eq3A_208 = arith.cmpi eq, %iota3A_205, %eq3A_207 : vector<16x1xi32>
    %convert_element_type3A_209 = arith.extui %eq3A_208 : vector<16x1xi1> to vector<16x1xi32>
    %convert_element_type3A_210 = arith.sitofp %convert_element_type3A_209 : vector<16x1xi32> to vector<16x1xf32>
    %dot_general3A_211 = arith.constant dense<0.000000e+00> : vector<32x1xf32>
    %dot_general3A_212 = tpu.matmul %get3A_1, %convert_element_type3A_210, %dot_general3A_211 {dimension_numbers = #tpu.dot_dimension_numbers<[1], [0], [0], [1], [0, 0, 1, 1], [], []>, transpose_lhs_hint = false} : vector<32x16xf32>, vector<16x1xf32>, vector<32x1xf32> -> vector<32x1xf32>
    %get3A_213 = arith.constant 13 : index
    %get3A_214 = arith.constant 0 : index
    %get3A_215 = arith.constant 0 : index
    %get3A_216 = vector.load %arg0[%get3A_213, %get3A_214, %get3A_215] : memref<16x32x1024xf32, #tpu.memory_space<vmem>>, vector<1x32x1024xf32>
    %get3A_217 = vector.shape_cast %get3A_216 : vector<1x32x1024xf32> to vector<32x1024xf32>
    %mul3A_218 = vector.broadcast %dot_general3A_212 : vector<32x1xf32> to vector<32x1024xf32>
    %mul3A_219 = arith.mulf %get3A_217, %mul3A_218 : vector<32x1024xf32>
    %add3A_220 = arith.addf %add3A_204, %mul3A_219 : vector<32x1024xf32>
    %iota3A_221 = tpu.iota {dimensions = array<i32: 0>} : vector<16x1xi32>
    %eq3A_222 = arith.constant 14 : i32
    %eq3A_223 = vector.broadcast %eq3A_222 : i32 to vector<16x1xi32>
    %eq3A_224 = arith.cmpi eq, %iota3A_221, %eq3A_223 : vector<16x1xi32>
    %convert_element_type3A_225 = arith.extui %eq3A_224 : vector<16x1xi1> to vector<16x1xi32>
    %convert_element_type3A_226 = arith.sitofp %convert_element_type3A_225 : vector<16x1xi32> to vector<16x1xf32>
    %dot_general3A_227 = arith.constant dense<0.000000e+00> : vector<32x1xf32>
    %dot_general3A_228 = tpu.matmul %get3A_1, %convert_element_type3A_226, %dot_general3A_227 {dimension_numbers = #tpu.dot_dimension_numbers<[1], [0], [0], [1], [0, 0, 1, 1], [], []>, transpose_lhs_hint = false} : vector<32x16xf32>, vector<16x1xf32>, vector<32x1xf32> -> vector<32x1xf32>
    %get3A_229 = arith.constant 14 : index
    %get3A_230 = arith.constant 0 : index
    %get3A_231 = arith.constant 0 : index
    %get3A_232 = vector.load %arg0[%get3A_229, %get3A_230, %get3A_231] : memref<16x32x1024xf32, #tpu.memory_space<vmem>>, vector<1x32x1024xf32>
    %get3A_233 = vector.shape_cast %get3A_232 : vector<1x32x1024xf32> to vector<32x1024xf32>
    %mul3A_234 = vector.broadcast %dot_general3A_228 : vector<32x1xf32> to vector<32x1024xf32>
    %mul3A_235 = arith.mulf %get3A_233, %mul3A_234 : vector<32x1024xf32>
    %add3A_236 = arith.addf %add3A_220, %mul3A_235 : vector<32x1024xf32>
    %iota3A_237 = tpu.iota {dimensions = array<i32: 0>} : vector<16x1xi32>
    %eq3A_238 = arith.constant 15 : i32
    %eq3A_239 = vector.broadcast %eq3A_238 : i32 to vector<16x1xi32>
    %eq3A_240 = arith.cmpi eq, %iota3A_237, %eq3A_239 : vector<16x1xi32>
    %convert_element_type3A_241 = arith.extui %eq3A_240 : vector<16x1xi1> to vector<16x1xi32>
    %convert_element_type3A_242 = arith.sitofp %convert_element_type3A_241 : vector<16x1xi32> to vector<16x1xf32>
    %dot_general3A_243 = arith.constant dense<0.000000e+00> : vector<32x1xf32>
    %dot_general3A_244 = tpu.matmul %get3A_1, %convert_element_type3A_242, %dot_general3A_243 {dimension_numbers = #tpu.dot_dimension_numbers<[1], [0], [0], [1], [0, 0, 1, 1], [], []>, transpose_lhs_hint = false} : vector<32x16xf32>, vector<16x1xf32>, vector<32x1xf32> -> vector<32x1xf32>
    %get3A_245 = arith.constant 15 : index
    %get3A_246 = arith.constant 0 : index
    %get3A_247 = arith.constant 0 : index
    %get3A_248 = vector.load %arg0[%get3A_245, %get3A_246, %get3A_247] : memref<16x32x1024xf32, #tpu.memory_space<vmem>>, vector<1x32x1024xf32>
    %get3A_249 = vector.shape_cast %get3A_248 : vector<1x32x1024xf32> to vector<32x1024xf32>
    %mul3A_250 = vector.broadcast %dot_general3A_244 : vector<32x1xf32> to vector<32x1024xf32>
    %mul3A_251 = arith.mulf %get3A_249, %mul3A_250 : vector<32x1024xf32>
    %add3A_252 = arith.addf %add3A_236, %mul3A_251 : vector<32x1024xf32>
    %swap3A = arith.constant 0 : index
    %swap3A_253 = arith.constant 0 : index
    %swap3A_254 = vector.load %arg2[%swap3A, %swap3A_253] : memref<32x1024xf32, #tpu.memory_space<vmem>>, vector<32x1024xf32>
    tpu.vector_store %arg2[%swap3A, %swap3A_253], %add3A_252 {strides = array<i32>} : memref<32x1024xf32, #tpu.memory_space<vmem>>, vector<32x1024xf32>,
    return
  }
}

</mosaic_0001>

<sc_bundles>
// kernel: kernel.5.cloned.1.call-start
scs
__scs_entry_jumppad:
0x0: {  	(pc) =	sbr.rel $0x88, $3  }
0x1: {  	(tag) =	ssettag $0x0;
	lr =	simm.s32 $0x1  }
0x2: {  	[smem:$0x3F9D] =	sst lr;
	_ =	strace $0xD0000000  }
0x3: {  	_ = 	snop  }
0x4: {  	_ = 	snop  }
0x5: {  	_ = 	snop  }
0x6: {  	_ = 	snop  }
0x7: {  	_ = 	snop  }
__scs_overlays_trampoline_lowered:
0x8: {  	[smem:$0x3FAC] =	sst s0  }
0x9: {  	[smem:$0x3FAD] =	sst s1  }
0xa: {  	[smem:$0x3FAE] =	sst s2  }
0xb: {  	[smem:$0x3FAF] =	sst s3  }
0xc: {  	[smem:$0x3FB0] =	sst s4  }
0xd: {  	[smem:$0x3FB1] =	sst s5  }
0xe: {  	[smem:$0x3FB2] =	sst s6  }
0xf: {  	[smem:$0x3FB3] =	sst s7  }
0x10: {  	[smem:$0x3FB4] =	sst s8  }
0x11: {  	[smem:$0x3FB5] =	sst s9;
	s0 =	simm.s32 @!p0 $0x0  }
0x12: {  	s1 =	sld [smem:$0x3F9B];
	s0 =	simm.s32 @p0 $0x1  }
0x13: {  	[smem:$0x3FB6] =	sst s0;
	s0 =	simm.s32 @!p1 $0x0  }
0x14: {  	s2 =	sld [smem:$0x3F9A];
	s0 =	simm.s32 @p1 $0x1  }
0x15: {  	[smem:$0x3FB7] =	sst s0;
	s0 =	simm.s32 @!p2 $0x0  }
0x16: {  	s3 =	sld [smem:$0x3FDB];
	s0 =	simm.s32 @p2 $0x1  }
0x17: {  	s4 =	simm.s32 $0x1BF5;
	[smem:$0x3FB9] =	sst s0  }
0x18: {  	s0 =	sld [smem:$0x3F9C];
	_ =	swait.ge [sflag:s4], $0x0  }
0x19: {  	s7 =	sld [smem:$0x3F9D]  }
0x1a: {  	s8 =	sadd.s32 $0xFFFFE003, lr  }
0x1b: {  	s9 =	sadd.s32 $0xFFFFFEF7, lr;
	s5 =	simm.s32 $0xFFFFFFFF;
	p2 =	slt.u32 s8, $0xFFFFF086  }
0x1c: {  	p1 =	slt.u32 s9, $0xF7A;
	s5 =	simm.s32 @!p2 $0x0  }
0x1d: {  	s5 =	simm.s32 @p1 $0x1;
	p0 =	seq.s32 s7, s2  }
0x1e: {  	s7 =	smul.u32 @!p0 $0xF7A, s2;
	p2 =	seq.s32 @!p0 s5, $0x0  }
0x1f: {  	s9 =	smul.u32 $0xF7A, s1;
	s8 =	simm.s32 @!p0 $0x1BF5;
	p2 =	por !p2, p0  }
0x20: {  	[sflag:s8] =	ssyncset.s32 @!p0 $0xFFFFF086;
	s6 =	sadd.s32 @!p0 s3, s7;
	s7 =	simm.s32 @!p0 $0x108  }
0x21: {  	s3 =	sadd.s32 s3, s9;
	s6 =	sadd.s32 @!p0 $0x88, s6;
	s7 =	simm.s32 @p2 $0x1082  }
0x22: {  	[simem:s7], [sflag:s8] =	dma.local @!p0 [hbm:s6], $0xF7A  }
0x23: {  	s9 =	sor.u32 $0xD0000000, s2;
	s6 =	simm.s32 $0x108;
	_ =	swait.ge @!p0 [sflag:s8], $0x0  }
0x24: {  	s3 =	sadd.s32 $0x88, s3;
	s6 =	simm.s32 @!p1 $0x1082;
	[sflag:s4] =	ssyncset.s32 $0xFFFFF086  }
0x25: {  	[simem:s6], [sflag:s4] =	dma.local [hbm:s3], $0xF7A  }
0x26: {  	[smem:$0x3F9D] =	sst s1;
	(tag) =	ssettag s2;
	_ =	strace s9  }
0x27: {  	s1 =	sld [smem:$0x3FAD]  }
0x28: {  	s2 =	sld [smem:$0x3FAE]  }
0x29: {  	s4 =	sld [smem:$0x3FB0]  }
0x2a: {  	p0 =	seq.s32 s5, $0x0;
	s5 =	sld [smem:$0x3FB1]  }
0x2b: {  	s6 =	sld [smem:$0x3FB2]  }
0x2c: {  	s7 =	sld [smem:$0x3FB3]  }
0x2d: {  	s3 =	simm.s32 $0x108;
	s8 =	sld [smem:$0x3FB4]  }
0x2e: {  	s3 =	simm.s32 @!p0 $0x1082;
	s9 =	sld [smem:$0x3FB5]  }
0x2f: {  	lr =	sadd.s32 s0, s3;
	s0 =	sld [smem:$0x3FAC]  }
0x30: {  	s3 =	sld [smem:$0x3FAF]  }
0x31: {  	[smem:$0x3FB8] =	sst s10  }
0x32: {  	s10 =	sld [smem:$0x3FB6];
	_ =	sdelay $0x3  }
0x33: {  	p0 =	seq.s32 s10, $0x1;
	s10 =	sld [smem:$0x3FB8];
	_ =	sdelay $0x3  }
0x34: {  	[smem:$0x3FB8] =	sst s10  }
0x35: {  	s10 =	sld [smem:$0x3FB7];
	_ =	sdelay $0x3  }
0x36: {  	p1 =	seq.s32 s10, $0x1;
	s10 =	sld [smem:$0x3FB8];
	_ =	sdelay $0x3  }
0x37: {  	[smem:$0x3FB8] =	sst s10  }
0x38: {  	s10 =	sld [smem:$0x3FB9]  }
0x39: {  	_ = 	snop;
	(pc) =	sbr.ind lr, $3  }
0x3a: {  	_ = 	snop  }
0x3b: {  	_ = 	snop  }
0x3c: {  	p2 =	seq.s32 s10, $0x1;
	s10 =	sld [smem:$0x3FB8]  }
0x3d: {  	_ =	shalt  }
0x3e: {  	_ =	shalt  }
0x3f: {  	_ =	shalt  }
0x40: {  	_ =	shalt  }
0x41: {  	_ =	shalt  }
0x42: {  	_ =	shalt  }
0x43: {  	_ =	shalt  }
0x44: {  	_ =	shalt  }
0x45: {  	_ =	shalt  }
0x46: {  	_ =	shalt  }
0x47: {  	_ =	shalt  }
0x48: {  	_ =	shalt  }
0x49: {  	_ =	shalt  }
0x4a: {  	_ =	shalt  }
0x4b: {  	_ =	shalt  }
0x4c: {  	_ =	shalt  }
0x4d: {  	_ =	shalt  }
0x4e: {  	_ =	shalt  }
0x4f: {  	_ =	shalt  }
0x50: {  	_ =	shalt  }
0x51: {  	_ =	shalt  }
0x52: {  	_ =	shalt  }
0x53: {  	_ =	shalt  }
0x54: {  	_ =	shalt  }
0x55: {  	_ =	shalt  }
0x56: {  	_ =	shalt  }
0x57: {  	_ =	shalt  }
0x58: {  	_ =	shalt  }
0x59: {  	_ =	shalt  }
0x5a: {  	_ =	shalt  }
0x5b: {  	_ =	shalt  }
0x5c: {  	_ =	shalt  }
0x5d: {  	_ =	shalt  }
0x5e: {  	_ =	shalt  }
0x5f: {  	_ =	shalt  }
0x60: {  	_ =	shalt  }
0x61: {  	_ =	shalt  }
0x62: {  	_ =	shalt  }
0x63: {  	_ =	shalt  }
0x64: {  	_ =	shalt  }
0x65: {  	_ =	shalt  }
0x66: {  	_ =	shalt  }
0x67: {  	_ =	shalt  }
0x68: {  	_ =	shalt  }
0x69: {  	_ =	shalt  }
0x6a: {  	_ =	shalt  }
0x6b: {  	_ =	shalt  }
0x6c: {  	_ =	shalt  }
0x6d: {  	_ =	shalt  }
0x6e: {  	_ =	shalt  }
0x6f: {  	_ =	shalt  }
0x70: {  	_ =	shalt  }
0x71: {  	_ =	shalt  }
0x72: {  	_ =	shalt  }
0x73: {  	_ =	shalt  }
0x74: {  	_ =	shalt  }
0x75: {  	_ =	shalt  }
0x76: {  	_ =	shalt  }
0x77: {  	_ =	shalt  }
0x78: {  	_ =	shalt  }
0x79: {  	_ =	shalt  }
0x7a: {  	_ =	shalt  }
0x7b: {  	_ =	shalt  }
0x7c: {  	_ =	shalt  }
0x7d: {  	_ =	shalt  }
0x7e: {  	_ =	shalt  }
0x7f: {  	_ =	shalt  }
0x80: {  	_ =	shalt  }
0x81: {  	_ =	shalt  }
0x82: {  	_ =	shalt  }
0x83: {  	_ =	shalt  }
0x84: {  	_ =	shalt  }
0x85: {  	_ =	shalt  }
0x86: {  	_ =	shalt  }
0x87: {  	_ =	shalt  }
.Lfunc_end0:
.L_simem_size_0:
called_computation_lowered:
.L_overlay_start_0:
0x88: {  	s2 =	sld [smem:$0x3FD9]  }
0x89: {  	s3 =	sld [smem:$0x3FFE];
	_ =	sdelay $0x1  }
0x8a: {  	s1 =	srdreg.scid  }
0x8b: {  	s0 =	sand.u32 $0x1, s1  }
0x8c: {  	s17 =	sshll.u32 s0, $0xA;
	s2 =	sadd.s32 s3, s2  }
0x8d: {  	s2 =	sadd.s32 s2, s17  }
0x8e: {  	[smem:$0x3FC4] =	sst s2  }
0x8f: {  	_ = 	snop  }
0x90: {  	s2 =	sld [smem:$0x3FD0];
	(tm) =	ssettm $0x1  }
0x91: {  	s18 =	sld [smem:$0x3FFB];
	_ =	sdelay $0x3  }
0x92: {  	_ =	strace s18  }
0x93: {  	s3 =	sld [smem:$0x3FFC];
	_ =	sdelay $0x3  }
0x94: {  	_ =	strace s3  }
0x95: {  	s3 =	sld [smem:$0x3FFD];
	_ =	sdelay $0x3  }
0x96: {  	_ =	strace s3  }
0x97: {  	_ =	strace $0x8FFFFFFF  }
0x98: {  	s19 =	sld [smem:$0x3FDB];
	_ =	sdelay $0x1  }
0x99: {  	s4 =	simm.s32 $_scs_section_size  }
0x9a: {  	s5 =	simm.s32 $_size__tile_overlayer_lowered;
	s6 =	simm.s32 $_tile_overlayer_lowered  }
0x9b: {  	s22 =	simm.s32 $0x1BFF;
	s21 =	sshll.u32 s6, $0x1;
	s3 =	sadd.s32 s4, s19  }
0x9c: {  	s7 =	simm.s32 $0x0;
	s20 =	sshll.u32 s5, $0x1;
	s5 =	sadd.s32 s21, s3  }
0x9d: {  	[timem:s7], [sflag:s22] =	dma.local [hbm:s5], s20  }
0x9e: {  	_ =	swait.ge [sflag:s22], s20  }
0x9f: {  	s4 =	ssub.s32 $0x0, s20;
	[sflag:s22] =	ssyncset.done $0x0  }
0xa0: {  	[sflag:s22] =	ssyncadd.s32 s4;
	_ =	sdelay $0x1  }
0xa1: {  	s23 =	simm.s32 $0x1B8B  }
0xa2: {  	_ =	swait.ge [sflag:s23], $0x1  }
0xa3: {  	[sflag:s23] =	ssyncset.done $0x0  }
0xa4: {  	s25 =	simm.s32 $0x1B8E;
	s24 =	sld [smem:$0x3FFE];
	[sflag:s23] =	ssyncadd.s32 $0xFFFFFFFF  }
0xa5: {  	s26 =	simm.s32 $execute0_lowered;
	[smem:$0x3FD2] =	sst s25  }
0xa6: {  	s5 =	sshll.u32 s26, $0x1;
	_ =	strace $0x80000046;
	[dreg:$0x1] =	wrdreg $0xFFFFFFFF  }
0xa7: {  	s28 =	simm.s32 $_size_execute0_lowered;
	s3 =	sadd.s32 s3, s5;
	[dreg:$0x0] =	wrdreg $0x0  }
0xa8: {  	s5 =	sshll.u32 s28, $0x1;
	[dreg:$0x2] =	wrdreg s3  }
0xa9: {  	[dreg:$0x3] =	wrdreg s5  }
0xaa: {  	[dreg:$0x4] =	wrdreg $0xC0  }
0xab: {  	_ =	task [dreg:s7], $0x5FFFF  }
0xac: {  	[dreg:$0x1] =	wrdreg $0xFFFFFFFF  }
0xad: {  	[dreg:$0x0] =	wrdreg $0x60  }
0xae: {  	[dreg:$0x2] =	wrdreg s2  }
0xaf: {  	[dreg:$0x3] =	wrdreg s24  }
0xb0: {  	[dreg:$0x4] =	wrdreg $0x9  }
0xb1: {  	_ =	task.clear_ibuf [dreg:s7], $0x5FFFF;
	_ =	strace $0x90000046  }
0xb2: {  	s29 =	simm.s32 $0x9;
	_ =	strace $0x80000048  }
0xb3: {  	_ =	swait.ge [sflag:s29], $0x1  }
0xb4: {  	[sflag:s29] =	ssyncadd.s32 $0xFFFFFFFF  }
0xb5: {  	_ =	strace $0x90000048  }
0xb6: {  	_ =	sfence  }
0xb7: {  	s30 =	sld [smem:$0x0];
	_ =	sdelay $0x2  }
0xb8: {  	s31 =	sshll.u32 s1, $0xD;
	s1 =	sshrl.u32 s1, $0x2  }
0xb9: {  	s3 =	sand.u32 $0x4000, s31;
	s1 =	sadd.s32 s1, s30  }
0xba: {  	s0 =	sor.u32 s3, s0;
	s1 =	sshll.u32 s1, $0x11  }
0xbb: {  	s0 =	sor.u32 s1, s0  }
0xbc: {  	s0 =	sadd.s32 $0x8F2B, s0  }
0xbd: {  	[sflag:s0] =	ssyncadd.remote.s32 $0x1  }
0xbe: {  	_ =	sfence.sel $0xFFFF  }
0xbf: {  	[dreg:$0x0] =	wrdreg $0xFFFFFFFF;
	(pc) =	sbr.abs _section_cstart, $3  }
0xc0: {  	[dreg:$0x1] =	wrdreg $0xFFFFFFFF  }
0xc1: {  	_ =	task.clear_ibuf [dreg:s7], $0x2FFFF;
	_ =	strace $0x9FFFFFFF  }
0xc2: {  	(tm) =	ssettm $0x7FFFFFFF  }
0xc3: {  	_ =	shalt  }
tec
execute0_lowered:
.L_overlay_start_1:
0x0: {  	(tag) =	ssettag $0x1  }
0x1: {  	s4 =	rddreg [dreg:$0x0]  }
0x2: {  	s5 =	rddreg [dreg:$0x1];
	s1 =	srdreg.scid;
	v0 =	vimm.s32 $0xEFCDAB89;
	v1 =	vimm.s32 $0x67452301  }
0x3: {  	s0 =	rddreg [dreg:$0x2];
	v2 =	vimm.s32 $0xDCFE98BA;
	s2 =	simm.s32 $0x0;
	v3 =	vimm.s32 $0x54761032;
	v4 =	vimm.s32 $0xBA98FEDC;
	s10 =	simm.s32 $0x2  }
0x4: {  	v5 =	vimm.s32 $0x32107654;
	v6 =	vimm.s32 $0xFEDCBA98;
	s11 =	simm.s32 $0x4480;
	s12 =	simm.s32 $0x4400;
	s13 =	simm.s32 $0x3  }
0x5: {  	v7 =	vimm.s32 $0x76543210;
	s14 =	simm.s32 $0x0;
	s6 =	sand.u32 $0x1, s1;
	v0 =	vunpack.c.l.s4.s8 v0;
	v1 =	vunpack.c.l.s4.s8 v1;
	[smem:$0x7FF] =	sst s2  }
0x6: {  	s1 =	stileid.u32;
	v2 =	vunpack.c.l.s4.s8 v2;
	v3 =	vunpack.c.l.s4.s8 v3;
	v4 =	vunpack.c.l.s4.s8 v4;
	s3 =	sshll.u32 s6, $0x4;
	_ =	strace $0x80000047  }
0x7: {  	v5 =	vunpack.c.l.s4.s8 v5;
	v6 =	vunpack.c.l.s4.s8 v6;
	s30 =	sshll.u32 s1, $0x7;
	s6 =	ssub.s32 $0x2, s6;
	s3 =	sor.u32 s1, s3;
	v0 =	vunpack.c.0.s8.s32 v0  }
0x8: {  	v1 =	vunpack.c.0.s8.s32 v1;
	v2 =	vunpack.c.0.s8.s32 v2;
	s8 =	sand.u32 $0x380, s30;
	v3 =	vunpack.c.0.s8.s32 v3;
	s31 =	sshrl.u32 s6, $0x1;
	s7 =	sshrl.u32 s3, $0x3  }
0x9: {  	v7 =	vunpack.c.l.s4.s8 v7;
	v4 =	vunpack.c.0.s8.s32 v4;
	v5 =	vunpack.c.0.s8.s32 v5;
	s3 =	sadd.s32 $0x800, s5;
	s9 =	sshll.u32 s7, $0xA;
	s7 =	sshll.u32 s7, $0xD  }
0xa: {  	s6 =	ssub.s32 s6, s31;
	v0 =	vcombine.low v1, v0;
	v1 =	vcombine.low v3, v2;
	v2 =	vunpack.c.0.s8.s32 v6;
	s9 =	sor.u32 s8, s9;
	s7 =	sor.u32 s8, s7  }
0xb: {  	v3 =	vcombine.low v5, v4;
	s6 =	smax.u32 s6, $0x1;
	v4 =	vunpack.c.0.s8.s32 v7;
	s9 =	sshrl.u32 s9, $0x3;
	s7 =	sshrl.u32 s7, $0x3  }
0xc: {  	s8 =	simm.s32 $0x400;
	v0 =	vand.u32 $0xF, v0;
	v1 =	vand.u32 $0xF, v1;
	v5 =	vand.u32 $0xF, v2;
	s5 =	sadd.s32 s9, s5;
	s4 =	sadd.s32 s4, s7  }
0xd: {  	v2 =	vand.u32 $0xF, v3;
	s7 =	simm.s32 $0x80;
	s9 =	simm.s32 $0x1;
	v3 =	vcombine.low v5, v4;
	v4 =	vlaneseq.u32;
	s5 =	sadd.s32 $0x1000, s5  }
.LBB2_1:
0xe: {  	[tilespmem:s2], [sflag:$0x1] =	stream.strided.gather [hbm4b:s4+s7], $0x400, s8, s7, $0x38;
	[tilespmem:$0x4500] =	vst v63  }
0xf: {  	_ = 	snop  }
0x10: {  	[tilespmem:s8], [sflag:$0x2] =	stream.linear.gather [hbm4b:s3+s2], $0x4000, $0x38;
	[tilespmem:$0x4500] =	vst v63  }
0x11: {  	_ =	swait.ge [sflag:s9], $0x400  }
0x12: {  	[sflag:s9] =	ssyncset.done $0x0  }
0x13: {  	[sflag:s9] =	ssyncadd.s32 $0xFFFFFC00  }
0x14: {  	_ =	swait.ge [sflag:s10], $0x4000  }
0x15: {  	[sflag:s10] =	ssyncset.done $0x0  }
0x16: {  	s15 =	simm.s32 $0x0;
	[sflag:s10] =	ssyncadd.s32 $0xFFFFC000  }
0x17: {  	v5 =	vld [tilespmem:s15+$0x0]  }
0x18: {  	s15 =	simm.s32 $0x480  }
0x19: {  	v6 =	vld [tilespmem:s15+$0xFFFFFF80];
	_ =	sdelay $0x1  }
0x1a: {  	v7 =	vld [tilespmem:s15+$0xFFFFFF90]  }
0x1b: {  	v8 =	vbroadcast v5, $0x0  }
0x1c: {  	v9 =	vld [tilespmem:s15+$0xFFFFFFA0]  }
0x1d: {  	v6 =	vmul.f32 v6, v8;
	v8 =	vbroadcast v5, $0x1  }
0x1e: {  	v10 =	vimm.f32 $0.0e+00;
	v11 =	vld [tilespmem:s15+$0xFFFFFFB0]  }
0x1f: {  	v6 =	vadd.f32 v6, v10;
	v7 =	vmul.f32 v7, v8;
	v8 =	vbroadcast v5, $0x2  }
0x20: {  	v10 =	vld [tilespmem:s15+$0xFFFFFFC0]  }
0x21: {  	v6 =	vadd.f32 v7, v6;
	v7 =	vmul.f32 v9, v8;
	v8 =	vbroadcast v5, $0x3  }
0x22: {  	v9 =	vld [tilespmem:s15+$0xFFFFFFD0]  }
0x23: {  	v6 =	vadd.f32 v7, v6;
	v7 =	vmul.f32 v11, v8;
	v8 =	vbroadcast v5, $0x4  }
0x24: {  	v11 =	vld [tilespmem:s15+$0xFFFFFFE0]  }
0x25: {  	v6 =	vadd.f32 v7, v6;
	v7 =	vmul.f32 v10, v8;
	v8 =	vbroadcast v5, $0x5  }
0x26: {  	v10 =	vld [tilespmem:s15+$0xFFFFFFF0]  }
0x27: {  	v6 =	vadd.f32 v7, v6;
	v7 =	vmul.f32 v9, v8;
	v8 =	vbroadcast v5, $0x6  }
0x28: {  	v9 =	vld [tilespmem:s15+$0x0]  }
0x29: {  	v6 =	vadd.f32 v7, v6;
	v7 =	vmul.f32 v11, v8;
	v8 =	vbroadcast v5, $0x7  }
0x2a: {  	v11 =	vld [tilespmem:s15+$0x10]  }
0x2b: {  	v6 =	vadd.f32 v7, v6;
	v7 =	vmul.f32 v10, v8;
	v8 =	vbroadcast v5, $0x8  }
0x2c: {  	v10 =	vld [tilespmem:s15+$0x20]  }
0x2d: {  	v6 =	vadd.f32 v7, v6;
	v7 =	vmul.f32 v9, v8;
	v8 =	vbroadcast v5, $0x9  }
0x2e: {  	v9 =	vld [tilespmem:s15+$0x30]  }
0x2f: {  	v6 =	vadd.f32 v7, v6;
	v7 =	vmul.f32 v11, v8;
	v8 =	vbroadcast v5, $0xA  }
0x30: {  	v11 =	vld [tilespmem:s15+$0x40]  }
0x31: {  	v6 =	vadd.f32 v7, v6;
	v7 =	vmul.f32 v10, v8;
	v10 =	vbroadcast v5, $0xB  }
0x32: {  	v8 =	vld [tilespmem:s15+$0x50]  }
0x33: {  	v7 =	vadd.f32 v7, v6;
	v9 =	vmul.f32 v9, v10;
	v10 =	vbroadcast v5, $0xC  }
0x34: {  	v6 =	vld [tilespmem:s15+$0x60]  }
0x35: {  	s17 =	simm.s32 $0x10;
	s16 =	simm.s32 $0x80;
	v9 =	vadd.f32 v9, v7;
	v10 =	vmul.f32 v11, v10;
	v11 =	vbroadcast v5, $0xD;
	v7 =	vld [tilespmem:s15+$0x70]  }
.LBB2_2:
0x36: {  	p0 =	sne.s32 s16, $0xFC0;
	v12 =	vld [tilespmem:s17+$0x0]  }
0x37: {  	s15 =	sadd.s32 $0x100, s15;
	v9 =	vadd.f32 v10, v9;
	v8 =	vmul.f32 v8, v11;
	v10 =	vbroadcast v5, $0xE  }
0x38: {  	v11 =	vld [tilespmem:s15+$0xFFFFFF80]  }
0x39: {  	v13 =	vbroadcast v5, $0xF;
	v8 =	vadd.f32 v8, v9;
	v6 =	vmul.f32 v6, v10  }
0x3a: {  	v9 =	vld [tilespmem:s15+$0xFFFFFF90]  }
0x3b: {  	v7 =	vmul.f32 v7, v13;
	v10 =	vbroadcast v12, $0x0;
	v6 =	vadd.f32 v6, v8;
	v5 =	vmovc v12  }
0x3c: {  	v8 =	vld [tilespmem:s15+$0xFFFFFFA0]  }
0x3d: {  	v10 =	vmul.f32 v11, v10;
	v11 =	vbroadcast v5, $0x1;
	v6 =	vadd.f32 v7, v6  }
0x3e: {  	v7 =	vld [tilespmem:s15+$0xFFFFFFB0]  }
0x3f: {  	v6 =	vadd.f32 v10, v6;
	v9 =	vmul.f32 v9, v11;
	v10 =	vbroadcast v5, $0x2  }
0x40: {  	v11 =	vld [tilespmem:s15+$0xFFFFFFC0]  }
0x41: {  	v6 =	vadd.f32 v9, v6;
	v8 =	vmul.f32 v8, v10;
	v9 =	vbroadcast v5, $0x3  }
0x42: {  	v10 =	vld [tilespmem:s15+$0xFFFFFFD0]  }
0x43: {  	v6 =	vadd.f32 v8, v6;
	v7 =	vmul.f32 v7, v9;
	v8 =	vbroadcast v5, $0x4  }
0x44: {  	v9 =	vld [tilespmem:s15+$0xFFFFFFE0]  }
0x45: {  	v6 =	vadd.f32 v7, v6;
	v7 =	vmul.f32 v11, v8;
	v8 =	vbroadcast v5, $0x5  }
0x46: {  	v11 =	vld [tilespmem:s15+$0xFFFFFFF0]  }
0x47: {  	v6 =	vadd.f32 v7, v6;
	v7 =	vmul.f32 v10, v8;
	v8 =	vbroadcast v5, $0x6  }
0x48: {  	v10 =	vld [tilespmem:s15+$0x0]  }
0x49: {  	v6 =	vadd.f32 v7, v6;
	v7 =	vmul.f32 v9, v8;
	v8 =	vbroadcast v5, $0x7  }
0x4a: {  	v9 =	vld [tilespmem:s15+$0x10]  }
0x4b: {  	v6 =	vadd.f32 v7, v6;
	v7 =	vmul.f32 v11, v8;
	v8 =	vbroadcast v5, $0x8  }
0x4c: {  	v11 =	vld [tilespmem:s15+$0x20]  }
0x4d: {  	v6 =	vadd.f32 v7, v6;
	v7 =	vmul.f32 v10, v8;
	v8 =	vbroadcast v5, $0x9  }
0x4e: {  	v10 =	vld [tilespmem:s15+$0x30]  }
0x4f: {  	v6 =	vadd.f32 v7, v6;
	v7 =	vmul.f32 v9, v8;
	v8 =	vbroadcast v5, $0xA  }
0x50: {  	v12 =	vld [tilespmem:s15+$0x40]  }
.Ltmp0:
0x51: {  	v9 =	vbroadcast v5, $0xB;
	v6 =	vadd.f32 v7, v6;
	v7 =	vmul.f32 v11, v8;
	(pc) =	sbr.rel @p0 .LBB2_2-.Ltmp0, $4  }
0x52: {  	v8 =	vld [tilespmem:s15+$0x50]  }
0x53: {  	v7 =	vadd.f32 v7, v6;
	v9 =	vmul.f32 v10, v9;
	v10 =	vbroadcast v5, $0xC  }
0x54: {  	v6 =	vld [tilespmem:s15+$0x60]  }
0x55: {  	s17 =	sshra.s32 s16, $0x2;
	s16 =	sadd.s32 $0x40, s16;
	v11 =	vbroadcast v5, $0xD;
	v9 =	vadd.f32 v9, v7;
	v10 =	vmul.f32 v12, v10;
	v7 =	vld [tilespmem:s15+$0x70]  }
0x56: {  	v12 =	vld [tilespmem:s17+$0x0]  }
0x57: {  	v39 =	vbroadcast v5, $0xE;
	s15 =	sadd.s32 $0x100, s15;
	v9 =	vadd.f32 v10, v9;
	v8 =	vmul.f32 v8, v11  }
0x58: {  	v40 =	vld [tilespmem:s15+$0xFFFFFF80]  }
0x59: {  	v5 =	vbroadcast v5, $0xF;
	v8 =	vadd.f32 v8, v9;
	v6 =	vmul.f32 v6, v39  }
0x5a: {  	v41 =	vld [tilespmem:s15+$0xFFFFFF90]  }
0x5b: {  	v5 =	vmul.f32 v7, v5;
	v42 =	vbroadcast v12, $0x0;
	v6 =	vadd.f32 v6, v8  }
0x5c: {  	v7 =	vld [tilespmem:s15+$0xFFFFFFA0]  }
0x5d: {  	v44 =	vbroadcast v12, $0x1;
	v43 =	vmul.f32 v40, v42;
	v5 =	vadd.f32 v5, v6  }
0x5e: {  	v6 =	vld [tilespmem:s15+$0xFFFFFFB0]  }
0x5f: {  	v46 =	vbroadcast v12, $0x2;
	v45 =	vmul.f32 v41, v44;
	v5 =	vadd.f32 v43, v5  }
0x60: {  	v47 =	vld [tilespmem:s15+$0xFFFFFFC0]  }
0x61: {  	v48 =	vbroadcast v12, $0x3;
	v7 =	vmul.f32 v7, v46;
	v5 =	vadd.f32 v45, v5  }
0x62: {  	v49 =	vld [tilespmem:s15+$0xFFFFFFD0]  }
0x63: {  	v6 =	vmul.f32 v6, v48;
	v5 =	vadd.f32 v7, v5;
	v7 =	vbroadcast v12, $0x4  }
0x64: {  	v50 =	vld [tilespmem:s15+$0xFFFFFFE0]  }
0x65: {  	v5 =	vadd.f32 v6, v5;
	v6 =	vmul.f32 v47, v7;
	v7 =	vbroadcast v12, $0x5  }
0x66: {  	v51 =	vld [tilespmem:s15+$0xFFFFFFF0]  }
0x67: {  	v5 =	vadd.f32 v6, v5;
	v6 =	vmul.f32 v49, v7;
	v7 =	vbroadcast v12, $0x6  }
0x68: {  	v52 =	vld [tilespmem:s15+$0x0]  }
0x69: {  	v5 =	vadd.f32 v6, v5;
	v6 =	vmul.f32 v50, v7;
	v7 =	vbroadcast v12, $0x7  }
0x6a: {  	v53 =	vld [tilespmem:s15+$0x10]  }
0x6b: {  	v5 =	vadd.f32 v6, v5;
	v6 =	vmul.f32 v51, v7;
	v7 =	vbroadcast v12, $0x8  }
0x6c: {  	v54 =	vld [tilespmem:s15+$0x20]  }
0x6d: {  	v5 =	vadd.f32 v6, v5;
	v6 =	vmul.f32 v52, v7;
	v7 =	vbroadcast v12, $0x9  }
0x6e: {  	v55 =	vld [tilespmem:s15+$0x30]  }
0x6f: {  	v5 =	vadd.f32 v6, v5;
	v6 =	vmul.f32 v53, v7;
	v7 =	vbroadcast v12, $0xA  }
0x70: {  	v56 =	vld [tilespmem:s15+$0x40]  }
0x71: {  	v5 =	vadd.f32 v6, v5;
	v6 =	vmul.f32 v54, v7;
	v7 =	vbroadcast v12, $0xB  }
0x72: {  	v57 =	vld [tilespmem:s15+$0x50]  }
0x73: {  	v5 =	vadd.f32 v6, v5;
	v6 =	vmul.f32 v55, v7;
	v7 =	vbroadcast v12, $0xC  }
0x74: {  	v58 =	vld [tilespmem:s15+$0x60]  }
0x75: {  	v5 =	vadd.f32 v6, v5;
	v6 =	vmul.f32 v56, v7;
	v7 =	vbroadcast v12, $0xD  }
0x76: {  	v59 =	vld [tilespmem:s15+$0x70]  }
0x77: {  	v5 =	vadd.f32 v6, v5;
	v6 =	vmul.f32 v57, v7;
	v7 =	vbroadcast v12, $0xE;
	_ =	sdelay $0x1  }
0x78: {  	v5 =	vadd.f32 v6, v5;
	v6 =	vmul.f32 v58, v7;
	v7 =	vbroadcast v12, $0xF;
	_ =	sdelay $0x1  }
0x79: {  	v5 =	vadd.f32 v6, v5;
	v6 =	vmul.f32 v59, v7;
	_ =	sdelay $0x1  }
0x7a: {  	v5 =	vadd.f32 v6, v5;
	_ =	sdelay $0x1  }
0x7b: {  	[tilespmem:$0x4480] =	vst v5  }
0x7c: {  	v6 =	vld.idx.msk [tilespmem:v0+s11+$0x0], $0xffff;
	_ =	sdelay $0x4  }
0x7d: {  	v6 =	vmax.f32 v5, v6  }
0x7e: {  	[tilespmem:$0x4480] =	vst v6  }
0x7f: {  	v7 =	vld.idx.msk [tilespmem:v1+s11+$0x0], $0xffff;
	_ =	sdelay $0x4  }
0x80: {  	v6 =	vmax.f32 v6, v7  }
0x81: {  	[tilespmem:$0x4480] =	vst v6  }
0x82: {  	v7 =	vld.idx.msk [tilespmem:v2+s11+$0x0], $0xffff;
	_ =	sdelay $0x4  }
0x83: {  	v6 =	vmax.f32 v6, v7  }
0x84: {  	[tilespmem:$0x4480] =	vst v6  }
0x85: {  	v7 =	vld.idx.msk [tilespmem:v3+s11+$0x0], $0xffff;
	_ =	sdelay $0x4  }
0x86: {  	v6 =	vmax.f32 v6, v7  }
0x87: {  	vm0 =	veq.f32 v5, v6  }
0x88: {  	v7 =	vmctz.xlane vm0;
	_ =	sdelay $0x1  }
0x89: {  	vm0 =	veq.s32 v7, v4  }
0x8a: {  	v5 =	vsel vm0, $0xFF800000, v5  }
0x8b: {  	[tilespmem:$0x4480] =	vst v5  }
0x8c: {  	v7 =	vld.idx.msk [tilespmem:v0+s11+$0x0], $0xffff;
	_ =	sdelay $0x4  }
0x8d: {  	v7 =	vmax.f32 v5, v7  }
0x8e: {  	[tilespmem:$0x4480] =	vst v7  }
0x8f: {  	v60 =	vld.idx.msk [tilespmem:v1+s11+$0x0], $0xffff;
	_ =	sdelay $0x4  }
0x90: {  	v7 =	vmax.f32 v7, v60  }
0x91: {  	[tilespmem:$0x4480] =	vst v7  }
0x92: {  	v61 =	vld.idx.msk [tilespmem:v2+s11+$0x0], $0xffff;
	_ =	sdelay $0x4  }
0x93: {  	v7 =	vmax.f32 v7, v61  }
0x94: {  	[tilespmem:$0x4480] =	vst v7  }
0x95: {  	v62 =	vld.idx.msk [tilespmem:v3+s11+$0x0], $0xffff;
	_ =	sdelay $0x4  }
0x96: {  	v7 =	vmax.f32 v7, v62  }
0x97: {  	v6 =	vsub.f32 v7, v6;
	_ =	sdelay $0x1  }
0x98: {  	v6 =	vmul.f32 $1.442695020e+00, v6;
	_ =	sdelay $0x1  }
0x99: {  	(erf) = vpow2.f32 v6;
	_ =	sdelay $0x8  }
0x9a: {  	v6 =	vpop (erf)  }
0x9b: {  	v63 =	vadd.f32 $1.000000000e+00, v6;
	_ =	sdelay $0x1  }
0x9c: {  	(erf) = vrcp.f32 v63;
	_ =	sdelay $0x7  }
0x9d: {  	vm1 =	veq.f32 v5, v7  }
0x9e: {  	v5 =	vmctz.xlane vm1;
	v7 =	vpop (erf)  }
0x9f: {  	v6 =	vmul.f32 v7, v6  }
0xa0: {  	vm1 =	veq.s32 v5, v4  }
0xa1: {  	s14 =	sadd.s32 $0x1, s14;
	v5 =	vnsel vm1, $0x0, v6  }
0xa2: {  	p0 =	sne.s32 s14, s6;
	v5 =	vsel vm0, v7, v5  }
.Ltmp1:
0xa3: {  	[tilespmem:$0x4400] =	vst v5;
	(pc) =	sbr.rel @p0 .LBB2_1-.Ltmp1, $4  }
0xa4: {  	[hbm4b:s5+s2] =	stream.linear.scatter [tilespmem:s12], [sflag:$0x3], $0x80, $0x38;
	[tilespmem:$0x4500] =	vst v63  }
0xa5: {  	_ =	swait.ge [sflag:s13], $0x80  }
0xa6: {  	[sflag:s13] =	ssyncset.done $0x0  }
0xa7: {  	[sflag:s13] =	ssyncadd.s32 $0xFFFFFF80  }
0xa8: {  	_ =	sfence.sel $0x180000  }
0xa9: {  	[bflag:$0x0] =	sbarrier.arrive $0xFFFF  }
0xaa: {  	p0 =	sne.s32 s1, $0x0;
	_ =	strace $0x90000047  }
0xab: {  	s0 =	sadd.s32 @!p0 $0x100000, s0;
	[bflag:$0x2] =	sbarrier.arrive $0xFFFF  }
0xac: {  	[sflag:s0] =	ssyncadd.tile.s32 @!p0 $0x1;
	_ =	shalt  }
.Lfunc_end2:
_tile_overlayer_lowered:
.L_overlay_start_2:
0xad: {  	(tag) =	ssettag $0x2  }
0xae: {  	s0 =	rddreg [dreg:$0x0];
	s2 =	stileid.u32  }
0xaf: {  	s1 =	rddreg [dreg:$0x1];
	p0 =	sne.s32 s2, $0x0  }
0xb0: {  	s3 =	rddreg [dreg:$0x2];
	[bflag:$0x3] =	sbarrier.arrive $0xFFFF;
	s2 =	simm.s32 @!p0 $0x1C03  }
0xb1: {  	[timem:s3], [sflag:s2] =	dma.local @!p0 [hbm:s0], s1  }
0xb2: {  	s0 =	simm.s32 @!p0 $0x3  }
0xb3: {  	_ =	swait.ge @!p0 [sflag:s0], s1  }
0xb4: {  	s1 =	ssub.s32 @!p0 $0x0, s1;
	[sflag:s0] =	ssyncset.done @!p0 $0x0  }
0xb5: {  	[sflag:s0] =	ssyncadd.s32 @!p0 s1  }
0xb6: {  	[bflag:$0x3] =	sbarrier.arrive $0xFFFF  }
0xb7: {  	_ =	shalt  }

</sc_bundles>
